<compile_context>
chip_gen: v7x
topology: tpu7x:2x2x1
jax: 0.10.2.dev20260603
libtpu: 0.0.44.dev20260713+nightly
codegen_flags: <defaults>
</compile_context>

<pallas_src>
import functools

import jax
import jax.numpy as jnp
from jax import lax
from jax.experimental import pallas as pl
from jax.experimental.pallas import tpu as pltpu
from jax.experimental.pallas import tpu_sc as plsc

_NUM_CORES = 2
_NUM_SUBCORES = 16
_NUM_WORKERS = _NUM_CORES * _NUM_SUBCORES
_LANES = 16


def _matmul_body(emb_ref, w_ref, g_ref):
    g_ref[...] = lax.dot_general(
        emb_ref[...], w_ref[...],
        dimension_numbers=(((1,), (1,)), ((), ())),
        preferred_element_type=jnp.float32,
    )


def _logit_table(emb_table, out_weight):
    v = emb_table.shape[0]
    return pl.pallas_call(
        _matmul_body,
        out_shape=jax.ShapeDtypeStruct((v, v), jnp.float32),
    )(emb_table, out_weight)


@functools.partial(jax.jit, static_argnames=("batch", "seq", "vocab"))
def _sc_expand(g_flat, ids, batch, seq, vocab):
    mesh = plsc.VectorSubcoreMesh(
        core_axis_name="c", subcore_axis_name="s",
        num_cores=_NUM_CORES, num_subcores=_NUM_SUBCORES,
    )
    n_per_w = (batch * seq) // _NUM_WORKERS
    n_chunk = n_per_w // 2
    w_per_b = seq // n_per_w

    @functools.partial(
        pl.kernel,
        mesh=mesh,
        compiler_params=pltpu.CompilerParams(
            use_tc_tiling_on_sc=True, needs_layout_passes=False),
        out_type=jax.ShapeDtypeStruct((batch, seq, vocab), jnp.float32),
        scratch_types=[
            pltpu.VMEM((vocab, vocab), jnp.float32),
            pltpu.VMEM((n_per_w,), jnp.int32),
            pltpu.VMEM((n_chunk, vocab), jnp.float32),
            pltpu.SemaphoreType.DMA,
        ],
    )
    def expand_kernel(g_hbm, ids_hbm, out_hbm, g_v, idx_v, out_v, sem_in):
        wid = lax.axis_index("s") * _NUM_CORES + lax.axis_index("c")
        bi = wid // w_per_b
        si = (wid % w_per_b) * n_per_w
        cg = pltpu.async_copy(g_hbm, g_v, sem_in)
        ci = pltpu.async_copy(ids_hbm.at[bi, pl.ds(si, n_per_w)], idx_v, sem_in)
        cg.wait()
        ci.wait()

        def chunk_body(c, _):
            cbase = c * n_chunk

            @plsc.parallel_loop(0, n_chunk // _LANES, unroll=4)
            def block_body(b):
                base = b * _LANES
                idx = idx_v[pl.ds(cbase + base, _LANES)]
                for t in range(_LANES):
                    tok = base + t
                    goff = idx[t]
                    for h in range(vocab // _LANES):
                        out_v[tok, pl.ds(h * _LANES, _LANES)] = (
                            g_v[goff, pl.ds(h * _LANES, _LANES)])

            pltpu.sync_copy(out_v, out_hbm.at[bi, pl.ds(si + cbase, n_chunk)])
            return _

        lax.fori_loop(0, n_per_w // n_chunk, chunk_body, 0)

    return expand_kernel(g_flat, ids)


def kernel(input_ids, emb_table, out_weight):
    batch, seq = input_ids.shape
    vocab = emb_table.shape[0]
    g = _logit_table(emb_table, out_weight)
    return _sc_expand(g, input_ids.astype(jnp.int32), batch, seq, vocab)

# --- scband reference (transcript-rebuilt; emitter-appended) ---
"""Pipeline reference for scband-dummy-target-model-24034636988619 (READ-ONLY COPY).

The authoritative reference and input builder live on the scoring server;
editing this copy changes nothing except your own understanding.
"""

import jax, jax.numpy as jnp
import numpy as np

VOCAB = 32
HIDDEN = 4096
B, S = 4, 8192

def setup_inputs(seed: int = 0) -> dict:
    key = jax.random.key(seed)
    k1, k2, k3 = jax.random.split(key, 3)
    input_ids = jax.random.randint(k1, (B, S), 0, VOCAB, dtype=jnp.int64 if jax.config.jax_enable_x64 else jnp.int32)
    emb_table = jax.random.normal(k2, (VOCAB, HIDDEN), dtype=jnp.float32) * 0.02
    out_weight = jax.random.normal(k3, (VOCAB, HIDDEN), dtype=jnp.float32) * 0.02  # nn.Linear(hidden, 32, bias=False) weight shape [32, hidden]
    return {"input_ids": input_ids, "emb_table": emb_table, "out_weight": out_weight}

def reference(input_ids, emb_table, out_weight):
    # get_input_embeddings: gather rows of the embedding table
    x = jnp.take(emb_table, input_ids, axis=0)          # [B, S, HIDDEN]
    # get_output_embeddings: Linear(hidden_size, 32, bias=False)
    logits = x @ out_weight.T                            # [B, S, VOCAB]
    return logits

if __name__ == "__main__":
    import jax
    _d = setup_inputs()
    print(jax.jit(kernel)(*tuple(_d.values())))

</pallas_src>

<mosaic_0001>
#map = affine_map<(d0, d1) -> (0, 0)>
#map1 = affine_map<(d0, d1) -> (0, 0, 0)>
module attributes {stable_mosaic.version = 14 : i64} {
  func.func @expand_kernel(%arg0: i32, %arg1: i32, %arg2: memref<32x32xf32, #tpu.memory_space<hbm>>, %arg3: memref<4x8192xi32, #tpu.memory_space<hbm>>, %arg4: memref<4x8192x32xf32, #tpu.memory_space<hbm>>, %arg5: memref<32x32xf32, #tpu.memory_space<vmem>>, %arg6: memref<1024xi32, #tpu.memory_space<vmem>>, %arg7: memref<512x32xf32, #tpu.memory_space<vmem>>, %arg8: memref<!tpu.dma_semaphore, #tpu.memory_space<semaphore_mem>>) attributes {dimension_semantics = [#tpu.dimension_semantics<core_parallel>, #tpu.dimension_semantics<subcore_parallel>], iteration_bounds = array<i64: 2, 16>, scalar_prefetch = 0 : i64, scratch_operands = 4 : i64, tpu.core_type = #tpu.core_type<sc_vector_subcore>, window_params = [{transform_indices = #map}, {transform_indices = #map}, {transform_indices = #map1}]} {
    %mul3A = arith.constant 2 : i32
    %mul3A_0 = arith.muli %arg1, %mul3A : i32
    %add3A = arith.addi %mul3A_0, %arg0 : i32
    %jit3A = arith.constant 8 : i32
    %div3A = arith.divsi %add3A, %jit3A : i32
    %sign3A = arith.constant 0 : i32
    %sign3A_1 = arith.cmpi sgt, %add3A, %sign3A : i32
    %sign3A_2 = arith.extui %sign3A_1 : i1 to i32
    %sign3A_3 = arith.constant 0 : i32
    %sign3A_4 = arith.cmpi slt, %add3A, %sign3A_3 : i32
    %sign3A_5 = arith.extui %sign3A_4 : i1 to i32
    %sign3A_6 = arith.subi %sign3A_2, %sign3A_5 : i32
    %sign3A_7 = arith.constant 0 : i32
    %sign3A_8 = arith.cmpi sgt, %jit3A, %sign3A_7 : i32
    %sign3A_9 = arith.extui %sign3A_8 : i1 to i32
    %sign3A_10 = arith.constant 0 : i32
    %sign3A_11 = arith.cmpi slt, %jit3A, %sign3A_10 : i32
    %sign3A_12 = arith.extui %sign3A_11 : i1 to i32
    %sign3A_13 = arith.subi %sign3A_9, %sign3A_12 : i32
    %ne3A = arith.cmpi ne, %sign3A_6, %sign3A_13 : i32
    %rem3A = arith.remsi %add3A, %jit3A : i32
    %ne3A_14 = arith.constant 0 : i32
    %ne3A_15 = arith.cmpi ne, %rem3A, %ne3A_14 : i32
    %and3A = arith.andi %ne3A, %ne3A_15 : i1
    %sub3A = arith.constant 1 : i32
    %sub3A_16 = arith.subi %div3A, %sub3A : i32
    %select_n3A = arith.select %and3A, %sub3A_16, %div3A : i32
    %jit3A_17 = arith.constant 8 : i32
    %eq3A = arith.constant 0 : i32
    %eq3A_18 = arith.cmpi eq, %jit3A_17, %eq3A : i32
    %jit3A_19 = arith.constant 1 : i32
    %select_n3A_20 = arith.select %eq3A_18, %jit3A_19, %jit3A_17 : i32
    %rem3A_21 = arith.remsi %add3A, %select_n3A_20 : i32
    %ne3A_22 = arith.constant 0 : i32
    %ne3A_23 = arith.cmpi ne, %rem3A_21, %ne3A_22 : i32
    %lt3A = arith.constant 0 : i32
    %lt3A_24 = arith.cmpi slt, %rem3A_21, %lt3A : i32
    %lt3A_25 = arith.constant 0 : i32
    %lt3A_26 = arith.cmpi slt, %select_n3A_20, %lt3A_25 : i32
    %ne3A_27 = arith.xori %lt3A_24, %lt3A_26 : i1
    %and3A_28 = arith.andi %ne3A_27, %ne3A_23 : i1
    %add3A_29 = arith.addi %rem3A_21, %select_n3A_20 : i32
    %select_n3A_30 = arith.select %and3A_28, %add3A_29, %rem3A_21 : i32
    %mul3A_31 = arith.constant 1024 : i32
    %mul3A_32 = arith.muli %select_n3A_30, %mul3A_31 : i32
    tpu.enqueue_dma source(%arg2 : memref<32x32xf32, #tpu.memory_space<hbm>>) target(%arg5 : memref<32x32xf32, #tpu.memory_space<vmem>>) target_semaphore(%arg8 : memref<!tpu.dma_semaphore, #tpu.memory_space<semaphore_mem>>)
    %dma_start3A = tpu.memref_slice %arg3[%select_n3A, %mul3A_32] : memref<4x8192xi32, #tpu.memory_space<hbm>> -> memref<1x1024xi32, #tpu.memory_space<hbm>>
    %dma_start3A_33 = tpu.memref_squeeze %dma_start3A : memref<1x1024xi32, #tpu.memory_space<hbm>> -> memref<1024xi32, #tpu.memory_space<hbm>>
    %dma_start3A_34 = tpu.memref_slice %arg3[%select_n3A, %mul3A_32] : memref<4x8192xi32, #tpu.memory_space<hbm>> -> memref<1x1024xi32, #tpu.memory_space<hbm>>
    %dma_start3A_35 = tpu.memref_squeeze %dma_start3A_34 : memref<1x1024xi32, #tpu.memory_space<hbm>> -> memref<1024xi32, #tpu.memory_space<hbm>>
    tpu.enqueue_dma source(%dma_start3A_35 : memref<1024xi32, #tpu.memory_space<hbm>>) target(%arg6 : memref<1024xi32, #tpu.memory_space<vmem>>) target_semaphore(%arg8 : memref<!tpu.dma_semaphore, #tpu.memory_space<semaphore_mem>>)
    tpu.wait_dma2 semaphore(%arg8 : memref<!tpu.dma_semaphore, #tpu.memory_space<semaphore_mem>>) src(%arg2 : memref<32x32xf32, #tpu.memory_space<hbm>>) dst(%arg5 : memref<32x32xf32, #tpu.memory_space<vmem>>)
    %dma_wait3A = tpu.memref_slice %arg3[%select_n3A, %mul3A_32] : memref<4x8192xi32, #tpu.memory_space<hbm>> -> memref<1x1024xi32, #tpu.memory_space<hbm>>
    %dma_wait3A_36 = tpu.memref_squeeze %dma_wait3A : memref<1x1024xi32, #tpu.memory_space<hbm>> -> memref<1024xi32, #tpu.memory_space<hbm>>
    %dma_wait3A_37 = tpu.memref_slice %arg3[%select_n3A, %mul3A_32] : memref<4x8192xi32, #tpu.memory_space<hbm>> -> memref<1x1024xi32, #tpu.memory_space<hbm>>
    %dma_wait3A_38 = tpu.memref_squeeze %dma_wait3A_37 : memref<1x1024xi32, #tpu.memory_space<hbm>> -> memref<1024xi32, #tpu.memory_space<hbm>>
    tpu.wait_dma2 semaphore(%arg8 : memref<!tpu.dma_semaphore, #tpu.memory_space<semaphore_mem>>) src(%dma_wait3A_38 : memref<1024xi32, #tpu.memory_space<hbm>>) dst(%arg6 : memref<1024xi32, #tpu.memory_space<vmem>>)
    %scan3A = arith.constant 0 : i32
    %scan3A_39 = arith.constant 0 : i32
    %scan3A_40 = arith.constant 2 : i32
    %scan3A_41 = arith.addi %scan3A_39, %scan3A_40 : i32
    %scan3A_42 = arith.constant 1 : i32
    scf.for %scan3A_44 = %scan3A_39 to %scan3A_41 step %scan3A_42  : i32 {
      %mul3A_45 = arith.constant 512 : i32
      %mul3A_46 = arith.muli %scan3A_44, %mul3A_45 : i32
      %parallel_loop3A = arith.constant 0 : i32
      %parallel_loop3A_47 = arith.constant 32 : i32
      %parallel_loop3A_48 = arith.constant 1 : i32
      scf.for %parallel_loop3A_50 = %parallel_loop3A to %parallel_loop3A_47 step %parallel_loop3A_48  : i32 {
        %parallel_loop3A_51 = arith.constant 16 : i32
        %parallel_loop3A_52 = arith.muli %parallel_loop3A_50, %parallel_loop3A_51 : i32
        %parallel_loop3A_53 = arith.addi %mul3A_46, %parallel_loop3A_52 : i32
        %parallel_loop3A_54 = arith.index_cast %parallel_loop3A_53 : i32 to index
        %parallel_loop3A_55 = tpu.vector_load %arg6[%parallel_loop3A_54] {strides = array<i32>} : memref<1024xi32, #tpu.memory_space<vmem>>, vector<16xi32>,
        %parallel_loop3A_56 = arith.constant 0 : i32
        %parallel_loop3A_57 = arith.addi %parallel_loop3A_52, %parallel_loop3A_56 : i32
        %parallel_loop3A_58 = vector.extract_strided_slice %parallel_loop3A_55 {offsets = [0], sizes = [1], strides = [1]} : vector<16xi32> to vector<1xi32>
        %parallel_loop3A_59 = vector.extract %parallel_loop3A_58[0] : i32 from vector<1xi32>
        %parallel_loop3A_60 = arith.index_cast %parallel_loop3A_59 : i32 to index
        %parallel_loop3A_61 = arith.constant 0 : index
        %parallel_loop3A_62 = tpu.vector_load %arg5[%parallel_loop3A_60, %parallel_loop3A_61] {strides = array<i32>} : memref<32x32xf32, #tpu.memory_space<vmem>>, vector<16xf32>,
        %parallel_loop3A_63 = arith.index_cast %parallel_loop3A_57 : i32 to index
        %parallel_loop3A_64 = arith.constant 0 : index
        %parallel_loop3A_65 = tpu.vector_load %arg7[%parallel_loop3A_63, %parallel_loop3A_64] {strides = array<i32>} : memref<512x32xf32, #tpu.memory_space<vmem>>, vector<16xf32>,
        tpu.vector_store %arg7[%parallel_loop3A_63, %parallel_loop3A_64], %parallel_loop3A_62 {strides = array<i32>} : memref<512x32xf32, #tpu.memory_space<vmem>>, vector<16xf32>,
        %parallel_loop3A_66 = arith.index_cast %parallel_loop3A_59 : i32 to index
        %parallel_loop3A_67 = arith.constant 16 : index
        %parallel_loop3A_68 = tpu.vector_load %arg5[%parallel_loop3A_66, %parallel_loop3A_67] {strides = array<i32>} : memref<32x32xf32, #tpu.memory_space<vmem>>, vector<16xf32>,
        %parallel_loop3A_69 = arith.index_cast %parallel_loop3A_57 : i32 to index
        %parallel_loop3A_70 = arith.constant 16 : index
        %parallel_loop3A_71 = tpu.vector_load %arg7[%parallel_loop3A_69, %parallel_loop3A_70] {strides = array<i32>} : memref<512x32xf32, #tpu.memory_space<vmem>>, vector<16xf32>,
        tpu.vector_store %arg7[%parallel_loop3A_69, %parallel_loop3A_70], %parallel_loop3A_68 {strides = array<i32>} : memref<512x32xf32, #tpu.memory_space<vmem>>, vector<16xf32>,
        %parallel_loop3A_72 = arith.constant 1 : i32
        %parallel_loop3A_73 = arith.addi %parallel_loop3A_52, %parallel_loop3A_72 : i32
        %parallel_loop3A_74 = vector.extract_strided_slice %parallel_loop3A_55 {offsets = [1], sizes = [1], strides = [1]} : vector<16xi32> to vector<1xi32>
        %parallel_loop3A_75 = vector.extract %parallel_loop3A_74[0] : i32 from vector<1xi32>
        %parallel_loop3A_76 = arith.index_cast %parallel_loop3A_75 : i32 to index
        %parallel_loop3A_77 = arith.constant 0 : index
        %parallel_loop3A_78 = tpu.vector_load %arg5[%parallel_loop3A_76, %parallel_loop3A_77] {strides = array<i32>} : memref<32x32xf32, #tpu.memory_space<vmem>>, vector<16xf32>,
        %parallel_loop3A_79 = arith.index_cast %parallel_loop3A_73 : i32 to index
        %parallel_loop3A_80 = arith.constant 0 : index
        %parallel_loop3A_81 = tpu.vector_load %arg7[%parallel_loop3A_79, %parallel_loop3A_80] {strides = array<i32>} : memref<512x32xf32, #tpu.memory_space<vmem>>, vector<16xf32>,
        tpu.vector_store %arg7[%parallel_loop3A_79, %parallel_loop3A_80], %parallel_loop3A_78 {strides = array<i32>} : memref<512x32xf32, #tpu.memory_space<vmem>>, vector<16xf32>,
        %parallel_loop3A_82 = arith.index_cast %parallel_loop3A_75 : i32 to index
        %parallel_loop3A_83 = arith.constant 16 : index
        %parallel_loop3A_84 = tpu.vector_load %arg5[%parallel_loop3A_82, %parallel_loop3A_83] {strides = array<i32>} : memref<32x32xf32, #tpu.memory_space<vmem>>, vector<16xf32>,
        %parallel_loop3A_85 = arith.index_cast %parallel_loop3A_73 : i32 to index
        %parallel_loop3A_86 = arith.constant 16 : index
        %parallel_loop3A_87 = tpu.vector_load %arg7[%parallel_loop3A_85, %parallel_loop3A_86] {strides = array<i32>} : memref<512x32xf32, #tpu.memory_space<vmem>>, vector<16xf32>,
        tpu.vector_store %arg7[%parallel_loop3A_85, %parallel_loop3A_86], %parallel_loop3A_84 {strides = array<i32>} : memref<512x32xf32, #tpu.memory_space<vmem>>, vector<16xf32>,
        %parallel_loop3A_88 = arith.constant 2 : i32
        %parallel_loop3A_89 = arith.addi %parallel_loop3A_52, %parallel_loop3A_88 : i32
        %parallel_loop3A_90 = vector.extract_strided_slice %parallel_loop3A_55 {offsets = [2], sizes = [1], strides = [1]} : vector<16xi32> to vector<1xi32>
        %parallel_loop3A_91 = vector.extract %parallel_loop3A_90[0] : i32 from vector<1xi32>
        %parallel_loop3A_92 = arith.index_cast %parallel_loop3A_91 : i32 to index
        %parallel_loop3A_93 = arith.constant 0 : index
        %parallel_loop3A_94 = tpu.vector_load %arg5[%parallel_loop3A_92, %parallel_loop3A_93] {strides = array<i32>} : memref<32x32xf32, #tpu.memory_space<vmem>>, vector<16xf32>,
        %parallel_loop3A_95 = arith.index_cast %parallel_loop3A_89 : i32 to index
        %parallel_loop3A_96 = arith.constant 0 : index
        %parallel_loop3A_97 = tpu.vector_load %arg7[%parallel_loop3A_95, %parallel_loop3A_96] {strides = array<i32>} : memref<512x32xf32, #tpu.memory_space<vmem>>, vector<16xf32>,
        tpu.vector_store %arg7[%parallel_loop3A_95, %parallel_loop3A_96], %parallel_loop3A_94 {strides = array<i32>} : memref<512x32xf32, #tpu.memory_space<vmem>>, vector<16xf32>,
        %parallel_loop3A_98 = arith.index_cast %parallel_loop3A_91 : i32 to index
        %parallel_loop3A_99 = arith.constant 16 : index
        %parallel_loop3A_100 = tpu.vector_load %arg5[%parallel_loop3A_98, %parallel_loop3A_99] {strides = array<i32>} : memref<32x32xf32, #tpu.memory_space<vmem>>, vector<16xf32>,
        %parallel_loop3A_101 = arith.index_cast %parallel_loop3A_89 : i32 to index
        %parallel_loop3A_102 = arith.constant 16 : index
        %parallel_loop3A_103 = tpu.vector_load %arg7[%parallel_loop3A_101, %parallel_loop3A_102] {strides = array<i32>} : memref<512x32xf32, #tpu.memory_space<vmem>>, vector<16xf32>,
        tpu.vector_store %arg7[%parallel_loop3A_101, %parallel_loop3A_102], %parallel_loop3A_100 {strides = array<i32>} : memref<512x32xf32, #tpu.memory_space<vmem>>, vector<16xf32>,
        %parallel_loop3A_104 = arith.constant 3 : i32
        %parallel_loop3A_105 = arith.addi %parallel_loop3A_52, %parallel_loop3A_104 : i32
        %parallel_loop3A_106 = vector.extract_strided_slice %parallel_loop3A_55 {offsets = [3], sizes = [1], strides = [1]} : vector<16xi32> to vector<1xi32>
        %parallel_loop3A_107 = vector.extract %parallel_loop3A_106[0] : i32 from vector<1xi32>
        %parallel_loop3A_108 = arith.index_cast %parallel_loop3A_107 : i32 to index
        %parallel_loop3A_109 = arith.constant 0 : index
        %parallel_loop3A_110 = tpu.vector_load %arg5[%parallel_loop3A_108, %parallel_loop3A_109] {strides = array<i32>} : memref<32x32xf32, #tpu.memory_space<vmem>>, vector<16xf32>,
        %parallel_loop3A_111 = arith.index_cast %parallel_loop3A_105 : i32 to index
        %parallel_loop3A_112 = arith.constant 0 : index
        %parallel_loop3A_113 = tpu.vector_load %arg7[%parallel_loop3A_111, %parallel_loop3A_112] {strides = array<i32>} : memref<512x32xf32, #tpu.memory_space<vmem>>, vector<16xf32>,
        tpu.vector_store %arg7[%parallel_loop3A_111, %parallel_loop3A_112], %parallel_loop3A_110 {strides = array<i32>} : memref<512x32xf32, #tpu.memory_space<vmem>>, vector<16xf32>,
        %parallel_loop3A_114 = arith.index_cast %parallel_loop3A_107 : i32 to index
        %parallel_loop3A_115 = arith.constant 16 : index
        %parallel_loop3A_116 = tpu.vector_load %arg5[%parallel_loop3A_114, %parallel_loop3A_115] {strides = array<i32>} : memref<32x32xf32, #tpu.memory_space<vmem>>, vector<16xf32>,
        %parallel_loop3A_117 = arith.index_cast %parallel_loop3A_105 : i32 to index
        %parallel_loop3A_118 = arith.constant 16 : index
        %parallel_loop3A_119 = tpu.vector_load %arg7[%parallel_loop3A_117, %parallel_loop3A_118] {strides = array<i32>} : memref<512x32xf32, #tpu.memory_space<vmem>>, vector<16xf32>,
        tpu.vector_store %arg7[%parallel_loop3A_117, %parallel_loop3A_118], %parallel_loop3A_116 {strides = array<i32>} : memref<512x32xf32, #tpu.memory_space<vmem>>, vector<16xf32>,
        %parallel_loop3A_120 = arith.constant 4 : i32
        %parallel_loop3A_121 = arith.addi %parallel_loop3A_52, %parallel_loop3A_120 : i32
        %parallel_loop3A_122 = vector.extract_strided_slice %parallel_loop3A_55 {offsets = [4], sizes = [1], strides = [1]} : vector<16xi32> to vector<1xi32>
        %parallel_loop3A_123 = vector.extract %parallel_loop3A_122[0] : i32 from vector<1xi32>
        %parallel_loop3A_124 = arith.index_cast %parallel_loop3A_123 : i32 to index
        %parallel_loop3A_125 = arith.constant 0 : index
        %parallel_loop3A_126 = tpu.vector_load %arg5[%parallel_loop3A_124, %parallel_loop3A_125] {strides = array<i32>} : memref<32x32xf32, #tpu.memory_space<vmem>>, vector<16xf32>,
        %parallel_loop3A_127 = arith.index_cast %parallel_loop3A_121 : i32 to index
        %parallel_loop3A_128 = arith.constant 0 : index
        %parallel_loop3A_129 = tpu.vector_load %arg7[%parallel_loop3A_127, %parallel_loop3A_128] {strides = array<i32>} : memref<512x32xf32, #tpu.memory_space<vmem>>, vector<16xf32>,
        tpu.vector_store %arg7[%parallel_loop3A_127, %parallel_loop3A_128], %parallel_loop3A_126 {strides = array<i32>} : memref<512x32xf32, #tpu.memory_space<vmem>>, vector<16xf32>,
        %parallel_loop3A_130 = arith.index_cast %parallel_loop3A_123 : i32 to index
        %parallel_loop3A_131 = arith.constant 16 : index
        %parallel_loop3A_132 = tpu.vector_load %arg5[%parallel_loop3A_130, %parallel_loop3A_131] {strides = array<i32>} : memref<32x32xf32, #tpu.memory_space<vmem>>, vector<16xf32>,
        %parallel_loop3A_133 = arith.index_cast %parallel_loop3A_121 : i32 to index
        %parallel_loop3A_134 = arith.constant 16 : index
        %parallel_loop3A_135 = tpu.vector_load %arg7[%parallel_loop3A_133, %parallel_loop3A_134] {strides = array<i32>} : memref<512x32xf32, #tpu.memory_space<vmem>>, vector<16xf32>,
        tpu.vector_store %arg7[%parallel_loop3A_133, %parallel_loop3A_134], %parallel_loop3A_132 {strides = array<i32>} : memref<512x32xf32, #tpu.memory_space<vmem>>, vector<16xf32>,
        %parallel_loop3A_136 = arith.constant 5 : i32
        %parallel_loop3A_137 = arith.addi %parallel_loop3A_52, %parallel_loop3A_136 : i32
        %parallel_loop3A_138 = vector.extract_strided_slice %parallel_loop3A_55 {offsets = [5], sizes = [1], strides = [1]} : vector<16xi32> to vector<1xi32>
        %parallel_loop3A_139 = vector.extract %parallel_loop3A_138[0] : i32 from vector<1xi32>
        %parallel_loop3A_140 = arith.index_cast %parallel_loop3A_139 : i32 to index
        %parallel_loop3A_141 = arith.constant 0 : index
        %parallel_loop3A_142 = tpu.vector_load %arg5[%parallel_loop3A_140, %parallel_loop3A_141] {strides = array<i32>} : memref<32x32xf32, #tpu.memory_space<vmem>>, vector<16xf32>,
        %parallel_loop3A_143 = arith.index_cast %parallel_loop3A_137 : i32 to index
        %parallel_loop3A_144 = arith.constant 0 : index
        %parallel_loop3A_145 = tpu.vector_load %arg7[%parallel_loop3A_143, %parallel_loop3A_144] {strides = array<i32>} : memref<512x32xf32, #tpu.memory_space<vmem>>, vector<16xf32>,
        tpu.vector_store %arg7[%parallel_loop3A_143, %parallel_loop3A_144], %parallel_loop3A_142 {strides = array<i32>} : memref<512x32xf32, #tpu.memory_space<vmem>>, vector<16xf32>,
        %parallel_loop3A_146 = arith.index_cast %parallel_loop3A_139 : i32 to index
        %parallel_loop3A_147 = arith.constant 16 : index
        %parallel_loop3A_148 = tpu.vector_load %arg5[%parallel_loop3A_146, %parallel_loop3A_147] {strides = array<i32>} : memref<32x32xf32, #tpu.memory_space<vmem>>, vector<16xf32>,
        %parallel_loop3A_149 = arith.index_cast %parallel_loop3A_137 : i32 to index
        %parallel_loop3A_150 = arith.constant 16 : index
        %parallel_loop3A_151 = tpu.vector_load %arg7[%parallel_loop3A_149, %parallel_loop3A_150] {strides = array<i32>} : memref<512x32xf32, #tpu.memory_space<vmem>>, vector<16xf32>,
        tpu.vector_store %arg7[%parallel_loop3A_149, %parallel_loop3A_150], %parallel_loop3A_148 {strides = array<i32>} : memref<512x32xf32, #tpu.memory_space<vmem>>, vector<16xf32>,
        %parallel_loop3A_152 = arith.constant 6 : i32
        %parallel_loop3A_153 = arith.addi %parallel_loop3A_52, %parallel_loop3A_152 : i32
        %parallel_loop3A_154 = vector.extract_strided_slice %parallel_loop3A_55 {offsets = [6], sizes = [1], strides = [1]} : vector<16xi32> to vector<1xi32>
        %parallel_loop3A_155 = vector.extract %parallel_loop3A_154[0] : i32 from vector<1xi32>
        %parallel_loop3A_156 = arith.index_cast %parallel_loop3A_155 : i32 to index
        %parallel_loop3A_157 = arith.constant 0 : index
        %parallel_loop3A_158 = tpu.vector_load %arg5[%parallel_loop3A_156, %parallel_loop3A_157] {strides = array<i32>} : memref<32x32xf32, #tpu.memory_space<vmem>>, vector<16xf32>,
        %parallel_loop3A_159 = arith.index_cast %parallel_loop3A_153 : i32 to index
        %parallel_loop3A_160 = arith.constant 0 : index
        %parallel_loop3A_161 = tpu.vector_load %arg7[%parallel_loop3A_159, %parallel_loop3A_160] {strides = array<i32>} : memref<512x32xf32, #tpu.memory_space<vmem>>, vector<16xf32>,
        tpu.vector_store %arg7[%parallel_loop3A_159, %parallel_loop3A_160], %parallel_loop3A_158 {strides = array<i32>} : memref<512x32xf32, #tpu.memory_space<vmem>>, vector<16xf32>,
        %parallel_loop3A_162 = arith.index_cast %parallel_loop3A_155 : i32 to index
        %parallel_loop3A_163 = arith.constant 16 : index
        %parallel_loop3A_164 = tpu.vector_load %arg5[%parallel_loop3A_162, %parallel_loop3A_163] {strides = array<i32>} : memref<32x32xf32, #tpu.memory_space<vmem>>, vector<16xf32>,
        %parallel_loop3A_165 = arith.index_cast %parallel_loop3A_153 : i32 to index
        %parallel_loop3A_166 = arith.constant 16 : index
        %parallel_loop3A_167 = tpu.vector_load %arg7[%parallel_loop3A_165, %parallel_loop3A_166] {strides = array<i32>} : memref<512x32xf32, #tpu.memory_space<vmem>>, vector<16xf32>,
        tpu.vector_store %arg7[%parallel_loop3A_165, %parallel_loop3A_166], %parallel_loop3A_164 {strides = array<i32>} : memref<512x32xf32, #tpu.memory_space<vmem>>, vector<16xf32>,
        %parallel_loop3A_168 = arith.constant 7 : i32
        %parallel_loop3A_169 = arith.addi %parallel_loop3A_52, %parallel_loop3A_168 : i32
        %parallel_loop3A_170 = vector.extract_strided_slice %parallel_loop3A_55 {offsets = [7], sizes = [1], strides = [1]} : vector<16xi32> to vector<1xi32>
        %parallel_loop3A_171 = vector.extract %parallel_loop3A_170[0] : i32 from vector<1xi32>
        %parallel_loop3A_172 = arith.index_cast %parallel_loop3A_171 : i32 to index
        %parallel_loop3A_173 = arith.constant 0 : index
        %parallel_loop3A_174 = tpu.vector_load %arg5[%parallel_loop3A_172, %parallel_loop3A_173] {strides = array<i32>} : memref<32x32xf32, #tpu.memory_space<vmem>>, vector<16xf32>,
        %parallel_loop3A_175 = arith.index_cast %parallel_loop3A_169 : i32 to index
        %parallel_loop3A_176 = arith.constant 0 : index
        %parallel_loop3A_177 = tpu.vector_load %arg7[%parallel_loop3A_175, %parallel_loop3A_176] {strides = array<i32>} : memref<512x32xf32, #tpu.memory_space<vmem>>, vector<16xf32>,
        tpu.vector_store %arg7[%parallel_loop3A_175, %parallel_loop3A_176], %parallel_loop3A_174 {strides = array<i32>} : memref<512x32xf32, #tpu.memory_space<vmem>>, vector<16xf32>,
        %parallel_loop3A_178 = arith.index_cast %parallel_loop3A_171 : i32 to index
        %parallel_loop3A_179 = arith.constant 16 : index
        %parallel_loop3A_180 = tpu.vector_load %arg5[%parallel_loop3A_178, %parallel_loop3A_179] {strides = array<i32>} : memref<32x32xf32, #tpu.memory_space<vmem>>, vector<16xf32>,
        %parallel_loop3A_181 = arith.index_cast %parallel_loop3A_169 : i32 to index
        %parallel_loop3A_182 = arith.constant 16 : index
        %parallel_loop3A_183 = tpu.vector_load %arg7[%parallel_loop3A_181, %parallel_loop3A_182] {strides = array<i32>} : memref<512x32xf32, #tpu.memory_space<vmem>>, vector<16xf32>,
        tpu.vector_store %arg7[%parallel_loop3A_181, %parallel_loop3A_182], %parallel_loop3A_180 {strides = array<i32>} : memref<512x32xf32, #tpu.memory_space<vmem>>, vector<16xf32>,
        %parallel_loop3A_184 = arith.constant 8 : i32
        %parallel_loop3A_185 = arith.addi %parallel_loop3A_52, %parallel_loop3A_184 : i32
        %parallel_loop3A_186 = vector.extract_strided_slice %parallel_loop3A_55 {offsets = [8], sizes = [1], strides = [1]} : vector<16xi32> to vector<1xi32>
        %parallel_loop3A_187 = vector.extract %parallel_loop3A_186[0] : i32 from vector<1xi32>
        %parallel_loop3A_188 = arith.index_cast %parallel_loop3A_187 : i32 to index
        %parallel_loop3A_189 = arith.constant 0 : index
        %parallel_loop3A_190 = tpu.vector_load %arg5[%parallel_loop3A_188, %parallel_loop3A_189] {strides = array<i32>} : memref<32x32xf32, #tpu.memory_space<vmem>>, vector<16xf32>,
        %parallel_loop3A_191 = arith.index_cast %parallel_loop3A_185 : i32 to index
        %parallel_loop3A_192 = arith.constant 0 : index
        %parallel_loop3A_193 = tpu.vector_load %arg7[%parallel_loop3A_191, %parallel_loop3A_192] {strides = array<i32>} : memref<512x32xf32, #tpu.memory_space<vmem>>, vector<16xf32>,
        tpu.vector_store %arg7[%parallel_loop3A_191, %parallel_loop3A_192], %parallel_loop3A_190 {strides = array<i32>} : memref<512x32xf32, #tpu.memory_space<vmem>>, vector<16xf32>,
        %parallel_loop3A_194 = arith.index_cast %parallel_loop3A_187 : i32 to index
        %parallel_loop3A_195 = arith.constant 16 : index
        %parallel_loop3A_196 = tpu.vector_load %arg5[%parallel_loop3A_194, %parallel_loop3A_195] {strides = array<i32>} : memref<32x32xf32, #tpu.memory_space<vmem>>, vector<16xf32>,
        %parallel_loop3A_197 = arith.index_cast %parallel_loop3A_185 : i32 to index
        %parallel_loop3A_198 = arith.constant 16 : index
        %parallel_loop3A_199 = tpu.vector_load %arg7[%parallel_loop3A_197, %parallel_loop3A_198] {strides = array<i32>} : memref<512x32xf32, #tpu.memory_space<vmem>>, vector<16xf32>,
        tpu.vector_store %arg7[%parallel_loop3A_197, %parallel_loop3A_198], %parallel_loop3A_196 {strides = array<i32>} : memref<512x32xf32, #tpu.memory_space<vmem>>, vector<16xf32>,
        %parallel_loop3A_200 = arith.constant 9 : i32
        %parallel_loop3A_201 = arith.addi %parallel_loop3A_52, %parallel_loop3A_200 : i32
        %parallel_loop3A_202 = vector.extract_strided_slice %parallel_loop3A_55 {offsets = [9], sizes = [1], strides = [1]} : vector<16xi32> to vector<1xi32>
        %parallel_loop3A_203 = vector.extract %parallel_loop3A_202[0] : i32 from vector<1xi32>
        %parallel_loop3A_204 = arith.index_cast %parallel_loop3A_203 : i32 to index
        %parallel_loop3A_205 = arith.constant 0 : index
        %parallel_loop3A_206 = tpu.vector_load %arg5[%parallel_loop3A_204, %parallel_loop3A_205] {strides = array<i32>} : memref<32x32xf32, #tpu.memory_space<vmem>>, vector<16xf32>,
        %parallel_loop3A_207 = arith.index_cast %parallel_loop3A_201 : i32 to index
        %parallel_loop3A_208 = arith.constant 0 : index
        %parallel_loop3A_209 = tpu.vector_load %arg7[%parallel_loop3A_207, %parallel_loop3A_208] {strides = array<i32>} : memref<512x32xf32, #tpu.memory_space<vmem>>, vector<16xf32>,
        tpu.vector_store %arg7[%parallel_loop3A_207, %parallel_loop3A_208], %parallel_loop3A_206 {strides = array<i32>} : memref<512x32xf32, #tpu.memory_space<vmem>>, vector<16xf32>,
        %parallel_loop3A_210 = arith.index_cast %parallel_loop3A_203 : i32 to index
        %parallel_loop3A_211 = arith.constant 16 : index
        %parallel_loop3A_212 = tpu.vector_load %arg5[%parallel_loop3A_210, %parallel_loop3A_211] {strides = array<i32>} : memref<32x32xf32, #tpu.memory_space<vmem>>, vector<16xf32>,
        %parallel_loop3A_213 = arith.index_cast %parallel_loop3A_201 : i32 to index
        %parallel_loop3A_214 = arith.constant 16 : index
        %parallel_loop3A_215 = tpu.vector_load %arg7[%parallel_loop3A_213, %parallel_loop3A_214] {strides = array<i32>} : memref<512x32xf32, #tpu.memory_space<vmem>>, vector<16xf32>,
        tpu.vector_store %arg7[%parallel_loop3A_213, %parallel_loop3A_214], %parallel_loop3A_212 {strides = array<i32>} : memref<512x32xf32, #tpu.memory_space<vmem>>, vector<16xf32>,
        %parallel_loop3A_216 = arith.constant 10 : i32
        %parallel_loop3A_217 = arith.addi %parallel_loop3A_52, %parallel_loop3A_216 : i32
        %parallel_loop3A_218 = vector.extract_strided_slice %parallel_loop3A_55 {offsets = [10], sizes = [1], strides = [1]} : vector<16xi32> to vector<1xi32>
        %parallel_loop3A_219 = vector.extract %parallel_loop3A_218[0] : i32 from vector<1xi32>
        %parallel_loop3A_220 = arith.index_cast %parallel_loop3A_219 : i32 to index
        %parallel_loop3A_221 = arith.constant 0 : index
        %parallel_loop3A_222 = tpu.vector_load %arg5[%parallel_loop3A_220, %parallel_loop3A_221] {strides = array<i32>} : memref<32x32xf32, #tpu.memory_space<vmem>>, vector<16xf32>,
        %parallel_loop3A_223 = arith.index_cast %parallel_loop3A_217 : i32 to index
        %parallel_loop3A_224 = arith.constant 0 : index
        %parallel_loop3A_225 = tpu.vector_load %arg7[%parallel_loop3A_223, %parallel_loop3A_224] {strides = array<i32>} : memref<512x32xf32, #tpu.memory_space<vmem>>, vector<16xf32>,
        tpu.vector_store %arg7[%parallel_loop3A_223, %parallel_loop3A_224], %parallel_loop3A_222 {strides = array<i32>} : memref<512x32xf32, #tpu.memory_space<vmem>>, vector<16xf32>,
        %parallel_loop3A_226 = arith.index_cast %parallel_loop3A_219 : i32 to index
        %parallel_loop3A_227 = arith.constant 16 : index
        %parallel_loop3A_228 = tpu.vector_load %arg5[%parallel_loop3A_226, %parallel_loop3A_227] {strides = array<i32>} : memref<32x32xf32, #tpu.memory_space<vmem>>, vector<16xf32>,
        %parallel_loop3A_229 = arith.index_cast %parallel_loop3A_217 : i32 to index
        %parallel_loop3A_230 = arith.constant 16 : index
        %parallel_loop3A_231 = tpu.vector_load %arg7[%parallel_loop3A_229, %parallel_loop3A_230] {strides = array<i32>} : memref<512x32xf32, #tpu.memory_space<vmem>>, vector<16xf32>,
        tpu.vector_store %arg7[%parallel_loop3A_229, %parallel_loop3A_230], %parallel_loop3A_228 {strides = array<i32>} : memref<512x32xf32, #tpu.memory_space<vmem>>, vector<16xf32>,
        %parallel_loop3A_232 = arith.constant 11 : i32
        %parallel_loop3A_233 = arith.addi %parallel_loop3A_52, %parallel_loop3A_232 : i32
        %parallel_loop3A_234 = vector.extract_strided_slice %parallel_loop3A_55 {offsets = [11], sizes = [1], strides = [1]} : vector<16xi32> to vector<1xi32>
        %parallel_loop3A_235 = vector.extract %parallel_loop3A_234[0] : i32 from vector<1xi32>
        %parallel_loop3A_236 = arith.index_cast %parallel_loop3A_235 : i32 to index
        %parallel_loop3A_237 = arith.constant 0 : index
        %parallel_loop3A_238 = tpu.vector_load %arg5[%parallel_loop3A_236, %parallel_loop3A_237] {strides = array<i32>} : memref<32x32xf32, #tpu.memory_space<vmem>>, vector<16xf32>,
        %parallel_loop3A_239 = arith.index_cast %parallel_loop3A_233 : i32 to index
        %parallel_loop3A_240 = arith.constant 0 : index
        %parallel_loop3A_241 = tpu.vector_load %arg7[%parallel_loop3A_239, %parallel_loop3A_240] {strides = array<i32>} : memref<512x32xf32, #tpu.memory_space<vmem>>, vector<16xf32>,
        tpu.vector_store %arg7[%parallel_loop3A_239, %parallel_loop3A_240], %parallel_loop3A_238 {strides = array<i32>} : memref<512x32xf32, #tpu.memory_space<vmem>>, vector<16xf32>,
        %parallel_loop3A_242 = arith.index_cast %parallel_loop3A_235 : i32 to index
        %parallel_loop3A_243 = arith.constant 16 : index
        %parallel_loop3A_244 = tpu.vector_load %arg5[%parallel_loop3A_242, %parallel_loop3A_243] {strides = array<i32>} : memref<32x32xf32, #tpu.memory_space<vmem>>, vector<16xf32>,
        %parallel_loop3A_245 = arith.index_cast %parallel_loop3A_233 : i32 to index
        %parallel_loop3A_246 = arith.constant 16 : index
        %parallel_loop3A_247 = tpu.vector_load %arg7[%parallel_loop3A_245, %parallel_loop3A_246] {strides = array<i32>} : memref<512x32xf32, #tpu.memory_space<vmem>>, vector<16xf32>,
        tpu.vector_store %arg7[%parallel_loop3A_245, %parallel_loop3A_246], %parallel_loop3A_244 {strides = array<i32>} : memref<512x32xf32, #tpu.memory_space<vmem>>, vector<16xf32>,
        %parallel_loop3A_248 = arith.constant 12 : i32
        %parallel_loop3A_249 = arith.addi %parallel_loop3A_52, %parallel_loop3A_248 : i32
        %parallel_loop3A_250 = vector.extract_strided_slice %parallel_loop3A_55 {offsets = [12], sizes = [1], strides = [1]} : vector<16xi32> to vector<1xi32>
        %parallel_loop3A_251 = vector.extract %parallel_loop3A_250[0] : i32 from vector<1xi32>
        %parallel_loop3A_252 = arith.index_cast %parallel_loop3A_251 : i32 to index
        %parallel_loop3A_253 = arith.constant 0 : index
        %parallel_loop3A_254 = tpu.vector_load %arg5[%parallel_loop3A_252, %parallel_loop3A_253] {strides = array<i32>} : memref<32x32xf32, #tpu.memory_space<vmem>>, vector<16xf32>,
        %parallel_loop3A_255 = arith.index_cast %parallel_loop3A_249 : i32 to index
        %parallel_loop3A_256 = arith.constant 0 : index
        %parallel_loop3A_257 = tpu.vector_load %arg7[%parallel_loop3A_255, %parallel_loop3A_256] {strides = array<i32>} : memref<512x32xf32, #tpu.memory_space<vmem>>, vector<16xf32>,
        tpu.vector_store %arg7[%parallel_loop3A_255, %parallel_loop3A_256], %parallel_loop3A_254 {strides = array<i32>} : memref<512x32xf32, #tpu.memory_space<vmem>>, vector<16xf32>,
        %parallel_loop3A_258 = arith.index_cast %parallel_loop3A_251 : i32 to index
        %parallel_loop3A_259 = arith.constant 16 : index
        %parallel_loop3A_260 = tpu.vector_load %arg5[%parallel_loop3A_258, %parallel_loop3A_259] {strides = array<i32>} : memref<32x32xf32, #tpu.memory_space<vmem>>, vector<16xf32>,
        %parallel_loop3A_261 = arith.index_cast %parallel_loop3A_249 : i32 to index
        %parallel_loop3A_262 = arith.constant 16 : index
        %parallel_loop3A_263 = tpu.vector_load %arg7[%parallel_loop3A_261, %parallel_loop3A_262] {strides = array<i32>} : memref<512x32xf32, #tpu.memory_space<vmem>>, vector<16xf32>,
        tpu.vector_store %arg7[%parallel_loop3A_261, %parallel_loop3A_262], %parallel_loop3A_260 {strides = array<i32>} : memref<512x32xf32, #tpu.memory_space<vmem>>, vector<16xf32>,
        %parallel_loop3A_264 = arith.constant 13 : i32
        %parallel_loop3A_265 = arith.addi %parallel_loop3A_52, %parallel_loop3A_264 : i32
        %parallel_loop3A_266 = vector.extract_strided_slice %parallel_loop3A_55 {offsets = [13], sizes = [1], strides = [1]} : vector<16xi32> to vector<1xi32>
        %parallel_loop3A_267 = vector.extract %parallel_loop3A_266[0] : i32 from vector<1xi32>
        %parallel_loop3A_268 = arith.index_cast %parallel_loop3A_267 : i32 to index
        %parallel_loop3A_269 = arith.constant 0 : index
        %parallel_loop3A_270 = tpu.vector_load %arg5[%parallel_loop3A_268, %parallel_loop3A_269] {strides = array<i32>} : memref<32x32xf32, #tpu.memory_space<vmem>>, vector<16xf32>,
        %parallel_loop3A_271 = arith.index_cast %parallel_loop3A_265 : i32 to index
        %parallel_loop3A_272 = arith.constant 0 : index
        %parallel_loop3A_273 = tpu.vector_load %arg7[%parallel_loop3A_271, %parallel_loop3A_272] {strides = array<i32>} : memref<512x32xf32, #tpu.memory_space<vmem>>, vector<16xf32>,
        tpu.vector_store %arg7[%parallel_loop3A_271, %parallel_loop3A_272], %parallel_loop3A_270 {strides = array<i32>} : memref<512x32xf32, #tpu.memory_space<vmem>>, vector<16xf32>,
        %parallel_loop3A_274 = arith.index_cast %parallel_loop3A_267 : i32 to index
        %parallel_loop3A_275 = arith.constant 16 : index
        %parallel_loop3A_276 = tpu.vector_load %arg5[%parallel_loop3A_274, %parallel_loop3A_275] {strides = array<i32>} : memref<32x32xf32, #tpu.memory_space<vmem>>, vector<16xf32>,
        %parallel_loop3A_277 = arith.index_cast %parallel_loop3A_265 : i32 to index
        %parallel_loop3A_278 = arith.constant 16 : index
        %parallel_loop3A_279 = tpu.vector_load %arg7[%parallel_loop3A_277, %parallel_loop3A_278] {strides = array<i32>} : memref<512x32xf32, #tpu.memory_space<vmem>>, vector<16xf32>,
        tpu.vector_store %arg7[%parallel_loop3A_277, %parallel_loop3A_278], %parallel_loop3A_276 {strides = array<i32>} : memref<512x32xf32, #tpu.memory_space<vmem>>, vector<16xf32>,
        %parallel_loop3A_280 = arith.constant 14 : i32
        %parallel_loop3A_281 = arith.addi %parallel_loop3A_52, %parallel_loop3A_280 : i32
        %parallel_loop3A_282 = vector.extract_strided_slice %parallel_loop3A_55 {offsets = [14], sizes = [1], strides = [1]} : vector<16xi32> to vector<1xi32>
        %parallel_loop3A_283 = vector.extract %parallel_loop3A_282[0] : i32 from vector<1xi32>
        %parallel_loop3A_284 = arith.index_cast %parallel_loop3A_283 : i32 to index
        %parallel_loop3A_285 = arith.constant 0 : index
        %parallel_loop3A_286 = tpu.vector_load %arg5[%parallel_loop3A_284, %parallel_loop3A_285] {strides = array<i32>} : memref<32x32xf32, #tpu.memory_space<vmem>>, vector<16xf32>,
        %parallel_loop3A_287 = arith.index_cast %parallel_loop3A_281 : i32 to index
        %parallel_loop3A_288 = arith.constant 0 : index
        %parallel_loop3A_289 = tpu.vector_load %arg7[%parallel_loop3A_287, %parallel_loop3A_288] {strides = array<i32>} : memref<512x32xf32, #tpu.memory_space<vmem>>, vector<16xf32>,
        tpu.vector_store %arg7[%parallel_loop3A_287, %parallel_loop3A_288], %parallel_loop3A_286 {strides = array<i32>} : memref<512x32xf32, #tpu.memory_space<vmem>>, vector<16xf32>,
        %parallel_loop3A_290 = arith.index_cast %parallel_loop3A_283 : i32 to index
        %parallel_loop3A_291 = arith.constant 16 : index
        %parallel_loop3A_292 = tpu.vector_load %arg5[%parallel_loop3A_290, %parallel_loop3A_291] {strides = array<i32>} : memref<32x32xf32, #tpu.memory_space<vmem>>, vector<16xf32>,
        %parallel_loop3A_293 = arith.index_cast %parallel_loop3A_281 : i32 to index
        %parallel_loop3A_294 = arith.constant 16 : index
        %parallel_loop3A_295 = tpu.vector_load %arg7[%parallel_loop3A_293, %parallel_loop3A_294] {strides = array<i32>} : memref<512x32xf32, #tpu.memory_space<vmem>>, vector<16xf32>,
        tpu.vector_store %arg7[%parallel_loop3A_293, %parallel_loop3A_294], %parallel_loop3A_292 {strides = array<i32>} : memref<512x32xf32, #tpu.memory_space<vmem>>, vector<16xf32>,
        %parallel_loop3A_296 = arith.constant 15 : i32
        %parallel_loop3A_297 = arith.addi %parallel_loop3A_52, %parallel_loop3A_296 : i32
        %parallel_loop3A_298 = vector.extract_strided_slice %parallel_loop3A_55 {offsets = [15], sizes = [1], strides = [1]} : vector<16xi32> to vector<1xi32>
        %parallel_loop3A_299 = vector.extract %parallel_loop3A_298[0] : i32 from vector<1xi32>
        %parallel_loop3A_300 = arith.index_cast %parallel_loop3A_299 : i32 to index
        %parallel_loop3A_301 = arith.constant 0 : index
        %parallel_loop3A_302 = tpu.vector_load %arg5[%parallel_loop3A_300, %parallel_loop3A_301] {strides = array<i32>} : memref<32x32xf32, #tpu.memory_space<vmem>>, vector<16xf32>,
        %parallel_loop3A_303 = arith.index_cast %parallel_loop3A_297 : i32 to index
        %parallel_loop3A_304 = arith.constant 0 : index
        %parallel_loop3A_305 = tpu.vector_load %arg7[%parallel_loop3A_303, %parallel_loop3A_304] {strides = array<i32>} : memref<512x32xf32, #tpu.memory_space<vmem>>, vector<16xf32>,
        tpu.vector_store %arg7[%parallel_loop3A_303, %parallel_loop3A_304], %parallel_loop3A_302 {strides = array<i32>} : memref<512x32xf32, #tpu.memory_space<vmem>>, vector<16xf32>,
        %parallel_loop3A_306 = arith.index_cast %parallel_loop3A_299 : i32 to index
        %parallel_loop3A_307 = arith.constant 16 : index
        %parallel_loop3A_308 = tpu.vector_load %arg5[%parallel_loop3A_306, %parallel_loop3A_307] {strides = array<i32>} : memref<32x32xf32, #tpu.memory_space<vmem>>, vector<16xf32>,
        %parallel_loop3A_309 = arith.index_cast %parallel_loop3A_297 : i32 to index
        %parallel_loop3A_310 = arith.constant 16 : index
        %parallel_loop3A_311 = tpu.vector_load %arg7[%parallel_loop3A_309, %parallel_loop3A_310] {strides = array<i32>} : memref<512x32xf32, #tpu.memory_space<vmem>>, vector<16xf32>,
        tpu.vector_store %arg7[%parallel_loop3A_309, %parallel_loop3A_310], %parallel_loop3A_308 {strides = array<i32>} : memref<512x32xf32, #tpu.memory_space<vmem>>, vector<16xf32>,
      } {sc.loop_unroll_factor = 4 : i64, sc.parallel_access}
      %add3A_49 = arith.addi %mul3A_32, %mul3A_46 : i32
      "tpu.region"() ({
        %run_scoped3A = tpu.sem_alloc : memref<!tpu.dma_semaphore, #tpu.memory_space<semaphore_mem>>
        %dma_start3A_50 = arith.constant 0 : i32
        %dma_start3A_51 = tpu.memref_slice %arg4[%select_n3A, %add3A_49, %dma_start3A_50] : memref<4x8192x32xf32, #tpu.memory_space<hbm>> -> memref<1x512x32xf32, #tpu.memory_space<hbm>>
        %dma_start3A_52 = tpu.memref_squeeze %dma_start3A_51 : memref<1x512x32xf32, #tpu.memory_space<hbm>> -> memref<512x32xf32, #tpu.memory_space<hbm>>
        %dma_start3A_53 = arith.constant 0 : i32
        %dma_start3A_54 = tpu.memref_slice %arg4[%select_n3A, %add3A_49, %dma_start3A_53] : memref<4x8192x32xf32, #tpu.memory_space<hbm>> -> memref<1x512x32xf32, #tpu.memory_space<hbm>>
        %dma_start3A_55 = tpu.memref_squeeze %dma_start3A_54 : memref<1x512x32xf32, #tpu.memory_space<hbm>> -> memref<512x32xf32, #tpu.memory_space<hbm>>
        tpu.enqueue_dma source(%arg7 : memref<512x32xf32, #tpu.memory_space<vmem>>) target(%dma_start3A_55 : memref<512x32xf32, #tpu.memory_space<hbm>>) target_semaphore(%run_scoped3A : memref<!tpu.dma_semaphore, #tpu.memory_space<semaphore_mem>>)
        %dma_wait3A_56 = arith.constant 0 : i32
        %dma_wait3A_57 = tpu.memref_slice %arg4[%select_n3A, %add3A_49, %dma_wait3A_56] : memref<4x8192x32xf32, #tpu.memory_space<hbm>> -> memref<1x512x32xf32, #tpu.memory_space<hbm>>
        %dma_wait3A_58 = tpu.memref_squeeze %dma_wait3A_57 : memref<1x512x32xf32, #tpu.memory_space<hbm>> -> memref<512x32xf32, #tpu.memory_space<hbm>>
        %dma_wait3A_59 = arith.constant 0 : i32
        %dma_wait3A_60 = tpu.memref_slice %arg4[%select_n3A, %add3A_49, %dma_wait3A_59] : memref<4x8192x32xf32, #tpu.memory_space<hbm>> -> memref<1x512x32xf32, #tpu.memory_space<hbm>>
        %dma_wait3A_61 = tpu.memref_squeeze %dma_wait3A_60 : memref<1x512x32xf32, #tpu.memory_space<hbm>> -> memref<512x32xf32, #tpu.memory_space<hbm>>
        tpu.wait_dma2 semaphore(%run_scoped3A : memref<!tpu.dma_semaphore, #tpu.memory_space<semaphore_mem>>) src(%arg7 : memref<512x32xf32, #tpu.memory_space<vmem>>) dst(%dma_wait3A_61 : memref<512x32xf32, #tpu.memory_space<hbm>>)
        tpu.yield
      }) : () -> ()
    }
    %scan3A_43 = arith.constant 2 : i32
    return
  }
}

</mosaic_0001>

<sc_bundles>
// kernel: _sc_expand.3.cloned.1.call-start
scs
__scs_entry_jumppad:
0x0: {  	(pc) =	sbr.rel $0x88, $3  }
0x1: {  	(tag) =	ssettag $0x0;
	lr =	simm.s32 $0x1  }
0x2: {  	[smem:$0x3F9F] =	sst lr;
	_ =	strace $0xD0000000  }
0x3: {  	_ = 	snop  }
0x4: {  	_ = 	snop  }
0x5: {  	_ = 	snop  }
0x6: {  	_ = 	snop  }
0x7: {  	_ = 	snop  }
__scs_overlays_trampoline_lowered:
0x8: {  	[smem:$0x3FAE] =	sst s0  }
0x9: {  	[smem:$0x3FAF] =	sst s1  }
0xa: {  	[smem:$0x3FB0] =	sst s2  }
0xb: {  	[smem:$0x3FB1] =	sst s3  }
0xc: {  	[smem:$0x3FB2] =	sst s4  }
0xd: {  	[smem:$0x3FB3] =	sst s5  }
0xe: {  	[smem:$0x3FB4] =	sst s6  }
0xf: {  	[smem:$0x3FB5] =	sst s7  }
0x10: {  	[smem:$0x3FB6] =	sst s8  }
0x11: {  	[smem:$0x3FB7] =	sst s9;
	s0 =	simm.s32 @!p0 $0x0  }
0x12: {  	s1 =	sld [smem:$0x3F9D];
	s0 =	simm.s32 @p0 $0x1  }
0x13: {  	[smem:$0x3FB8] =	sst s0;
	s0 =	simm.s32 @!p1 $0x0  }
0x14: {  	s2 =	sld [smem:$0x3F9C];
	s0 =	simm.s32 @p1 $0x1  }
0x15: {  	[smem:$0x3FB9] =	sst s0;
	s0 =	simm.s32 @!p2 $0x0  }
0x16: {  	s3 =	sld [smem:$0x3FDB];
	s0 =	simm.s32 @p2 $0x1  }
0x17: {  	s4 =	simm.s32 $0x1BF5;
	[smem:$0x3FBB] =	sst s0  }
0x18: {  	s0 =	sld [smem:$0x3F9E];
	_ =	swait.ge [sflag:s4], $0x0  }
0x19: {  	s7 =	sld [smem:$0x3F9F]  }
0x1a: {  	s8 =	sadd.s32 $0xFFFFE003, lr  }
0x1b: {  	s9 =	sadd.s32 $0xFFFFFEF7, lr;
	s5 =	simm.s32 $0xFFFFFFFF;
	p2 =	slt.u32 s8, $0xFFFFF086  }
0x1c: {  	p1 =	slt.u32 s9, $0xF7A;
	s5 =	simm.s32 @!p2 $0x0  }
0x1d: {  	s5 =	simm.s32 @p1 $0x1;
	p0 =	seq.s32 s7, s2  }
0x1e: {  	s7 =	smul.u32 @!p0 $0xF7A, s2;
	p2 =	seq.s32 @!p0 s5, $0x0  }
0x1f: {  	s9 =	smul.u32 $0xF7A, s1;
	s8 =	simm.s32 @!p0 $0x1BF5;
	p2 =	por !p2, p0  }
0x20: {  	[sflag:s8] =	ssyncset.s32 @!p0 $0xFFFFF086;
	s6 =	sadd.s32 @!p0 s3, s7;
	s7 =	simm.s32 @!p0 $0x108  }
0x21: {  	s3 =	sadd.s32 s3, s9;
	s6 =	sadd.s32 @!p0 $0x88, s6;
	s7 =	simm.s32 @p2 $0x1082  }
0x22: {  	[simem:s7], [sflag:s8] =	dma.local @!p0 [hbm:s6], $0xF7A  }
0x23: {  	s9 =	sor.u32 $0xD0000000, s2;
	s6 =	simm.s32 $0x108;
	_ =	swait.ge @!p0 [sflag:s8], $0x0  }
0x24: {  	s3 =	sadd.s32 $0x88, s3;
	s6 =	simm.s32 @!p1 $0x1082;
	[sflag:s4] =	ssyncset.s32 $0xFFFFF086  }
0x25: {  	[simem:s6], [sflag:s4] =	dma.local [hbm:s3], $0xF7A  }
0x26: {  	[smem:$0x3F9F] =	sst s1;
	(tag) =	ssettag s2;
	_ =	strace s9  }
0x27: {  	s1 =	sld [smem:$0x3FAF]  }
0x28: {  	s2 =	sld [smem:$0x3FB0]  }
0x29: {  	s4 =	sld [smem:$0x3FB2]  }
0x2a: {  	p0 =	seq.s32 s5, $0x0;
	s5 =	sld [smem:$0x3FB3]  }
0x2b: {  	s6 =	sld [smem:$0x3FB4]  }
0x2c: {  	s7 =	sld [smem:$0x3FB5]  }
0x2d: {  	s3 =	simm.s32 $0x108;
	s8 =	sld [smem:$0x3FB6]  }
0x2e: {  	s3 =	simm.s32 @!p0 $0x1082;
	s9 =	sld [smem:$0x3FB7]  }
0x2f: {  	lr =	sadd.s32 s0, s3;
	s0 =	sld [smem:$0x3FAE]  }
0x30: {  	s3 =	sld [smem:$0x3FB1]  }
0x31: {  	[smem:$0x3FBA] =	sst s10  }
0x32: {  	s10 =	sld [smem:$0x3FB8];
	_ =	sdelay $0x3  }
0x33: {  	p0 =	seq.s32 s10, $0x1;
	s10 =	sld [smem:$0x3FBA];
	_ =	sdelay $0x3  }
0x34: {  	[smem:$0x3FBA] =	sst s10  }
0x35: {  	s10 =	sld [smem:$0x3FB9];
	_ =	sdelay $0x3  }
0x36: {  	p1 =	seq.s32 s10, $0x1;
	s10 =	sld [smem:$0x3FBA];
	_ =	sdelay $0x3  }
0x37: {  	[smem:$0x3FBA] =	sst s10  }
0x38: {  	s10 =	sld [smem:$0x3FBB]  }
0x39: {  	_ = 	snop;
	(pc) =	sbr.ind lr, $3  }
0x3a: {  	_ = 	snop  }
0x3b: {  	_ = 	snop  }
0x3c: {  	p2 =	seq.s32 s10, $0x1;
	s10 =	sld [smem:$0x3FBA]  }
0x3d: {  	_ =	shalt  }
0x3e: {  	_ =	shalt  }
0x3f: {  	_ =	shalt  }
0x40: {  	_ =	shalt  }
0x41: {  	_ =	shalt  }
0x42: {  	_ =	shalt  }
0x43: {  	_ =	shalt  }
0x44: {  	_ =	shalt  }
0x45: {  	_ =	shalt  }
0x46: {  	_ =	shalt  }
0x47: {  	_ =	shalt  }
0x48: {  	_ =	shalt  }
0x49: {  	_ =	shalt  }
0x4a: {  	_ =	shalt  }
0x4b: {  	_ =	shalt  }
0x4c: {  	_ =	shalt  }
0x4d: {  	_ =	shalt  }
0x4e: {  	_ =	shalt  }
0x4f: {  	_ =	shalt  }
0x50: {  	_ =	shalt  }
0x51: {  	_ =	shalt  }
0x52: {  	_ =	shalt  }
0x53: {  	_ =	shalt  }
0x54: {  	_ =	shalt  }
0x55: {  	_ =	shalt  }
0x56: {  	_ =	shalt  }
0x57: {  	_ =	shalt  }
0x58: {  	_ =	shalt  }
0x59: {  	_ =	shalt  }
0x5a: {  	_ =	shalt  }
0x5b: {  	_ =	shalt  }
0x5c: {  	_ =	shalt  }
0x5d: {  	_ =	shalt  }
0x5e: {  	_ =	shalt  }
0x5f: {  	_ =	shalt  }
0x60: {  	_ =	shalt  }
0x61: {  	_ =	shalt  }
0x62: {  	_ =	shalt  }
0x63: {  	_ =	shalt  }
0x64: {  	_ =	shalt  }
0x65: {  	_ =	shalt  }
0x66: {  	_ =	shalt  }
0x67: {  	_ =	shalt  }
0x68: {  	_ =	shalt  }
0x69: {  	_ =	shalt  }
0x6a: {  	_ =	shalt  }
0x6b: {  	_ =	shalt  }
0x6c: {  	_ =	shalt  }
0x6d: {  	_ =	shalt  }
0x6e: {  	_ =	shalt  }
0x6f: {  	_ =	shalt  }
0x70: {  	_ =	shalt  }
0x71: {  	_ =	shalt  }
0x72: {  	_ =	shalt  }
0x73: {  	_ =	shalt  }
0x74: {  	_ =	shalt  }
0x75: {  	_ =	shalt  }
0x76: {  	_ =	shalt  }
0x77: {  	_ =	shalt  }
0x78: {  	_ =	shalt  }
0x79: {  	_ =	shalt  }
0x7a: {  	_ =	shalt  }
0x7b: {  	_ =	shalt  }
0x7c: {  	_ =	shalt  }
0x7d: {  	_ =	shalt  }
0x7e: {  	_ =	shalt  }
0x7f: {  	_ =	shalt  }
0x80: {  	_ =	shalt  }
0x81: {  	_ =	shalt  }
0x82: {  	_ =	shalt  }
0x83: {  	_ =	shalt  }
0x84: {  	_ =	shalt  }
0x85: {  	_ =	shalt  }
0x86: {  	_ =	shalt  }
0x87: {  	_ =	shalt  }
.Lfunc_end0:
.L_simem_size_0:
called_computation_lowered:
.L_overlay_start_0:
0x88: {  	s2 =	sld [smem:$0x3FD9]  }
0x89: {  	s3 =	sld [smem:$0x3FFE];
	_ =	sdelay $0x1  }
0x8a: {  	s1 =	srdreg.scid  }
0x8b: {  	s0 =	sand.u32 $0x1, s1  }
0x8c: {  	s17 =	sshll.u32 s0, $0xA;
	s2 =	sadd.s32 s3, s2  }
0x8d: {  	s2 =	sadd.s32 s2, s17  }
0x8e: {  	[smem:$0x3FC6] =	sst s2  }
0x8f: {  	_ = 	snop  }
0x90: {  	s2 =	sld [smem:$0x3FC9]  }
0x91: {  	s18 =	sld [smem:$0x3FC8];
	(tm) =	ssettm $0x1  }
0x92: {  	s4 =	sld [smem:$0x3FFB];
	_ =	sdelay $0x3  }
0x93: {  	_ =	strace s4  }
0x94: {  	s4 =	sld [smem:$0x3FFC];
	_ =	sdelay $0x3  }
0x95: {  	_ =	strace s4  }
0x96: {  	s4 =	sld [smem:$0x3FFD];
	_ =	sdelay $0x3  }
0x97: {  	_ =	strace s4  }
0x98: {  	_ =	strace $0x8FFFFFFF  }
0x99: {  	s19 =	sld [smem:$0x3FDB];
	_ =	sdelay $0x1  }
0x9a: {  	s5 =	simm.s32 $_scs_section_size  }
0x9b: {  	s6 =	simm.s32 $_size__tile_overlayer_lowered;
	s7 =	simm.s32 $_tile_overlayer_lowered  }
0x9c: {  	s22 =	simm.s32 $0x1BFF;
	s21 =	sshll.u32 s7, $0x1;
	s4 =	sadd.s32 s5, s19  }
0x9d: {  	s8 =	simm.s32 $0x0;
	s20 =	sshll.u32 s6, $0x1;
	s6 =	sadd.s32 s21, s4  }
0x9e: {  	[timem:s8], [sflag:s22] =	dma.local [hbm:s6], s20  }
0x9f: {  	_ =	swait.ge [sflag:s22], s20  }
0xa0: {  	s5 =	ssub.s32 $0x0, s20;
	[sflag:s22] =	ssyncset.done $0x0  }
0xa1: {  	[sflag:s22] =	ssyncadd.s32 s5;
	_ =	sdelay $0x1  }
0xa2: {  	s23 =	simm.s32 $0x1B8B  }
0xa3: {  	_ =	swait.ge [sflag:s23], $0x1  }
0xa4: {  	[sflag:s23] =	ssyncset.done $0x0  }
0xa5: {  	s25 =	simm.s32 $0x1B8E;
	s24 =	sld [smem:$0x3FFE];
	[sflag:s23] =	ssyncadd.s32 $0xFFFFFFFF  }
0xa6: {  	s26 =	simm.s32 $execute0_lowered;
	[smem:$0x3FD2] =	sst s25  }
0xa7: {  	s6 =	sshll.u32 s26, $0x1;
	_ =	strace $0x80000046;
	[dreg:$0x1] =	wrdreg $0xFFFFFFFF  }
0xa8: {  	s28 =	simm.s32 $_size_execute0_lowered;
	s4 =	sadd.s32 s4, s6;
	[dreg:$0x0] =	wrdreg $0x0  }
0xa9: {  	s6 =	sshll.u32 s28, $0x1;
	[dreg:$0x2] =	wrdreg s4  }
0xaa: {  	[dreg:$0x3] =	wrdreg s6  }
0xab: {  	[dreg:$0x4] =	wrdreg $0xC0  }
0xac: {  	_ =	task [dreg:s8], $0x5FFFF  }
0xad: {  	[dreg:$0x1] =	wrdreg $0xFFFFFFFF  }
0xae: {  	[dreg:$0x0] =	wrdreg $0x60  }
0xaf: {  	[dreg:$0x2] =	wrdreg s2  }
0xb0: {  	[dreg:$0x3] =	wrdreg s18  }
0xb1: {  	[dreg:$0x4] =	wrdreg s24  }
0xb2: {  	[dreg:$0x5] =	wrdreg $0x9  }
0xb3: {  	_ =	task.clear_ibuf [dreg:s8], $0x6FFFF;
	_ =	strace $0x90000046  }
0xb4: {  	s29 =	simm.s32 $0x9;
	_ =	strace $0x80000048  }
0xb5: {  	_ =	swait.ge [sflag:s29], $0x1  }
0xb6: {  	[sflag:s29] =	ssyncadd.s32 $0xFFFFFFFF  }
0xb7: {  	_ =	strace $0x90000048  }
0xb8: {  	_ =	sfence  }
0xb9: {  	s30 =	sld [smem:$0x0];
	_ =	sdelay $0x2  }
0xba: {  	s31 =	sshll.u32 s1, $0xD;
	s1 =	sshrl.u32 s1, $0x2  }
0xbb: {  	s3 =	sand.u32 $0x4000, s31;
	s1 =	sadd.s32 s1, s30  }
0xbc: {  	s0 =	sor.u32 s3, s0;
	s1 =	sshll.u32 s1, $0x11  }
0xbd: {  	s0 =	sor.u32 s1, s0  }
0xbe: {  	s0 =	sadd.s32 $0x8F2B, s0  }
0xbf: {  	[sflag:s0] =	ssyncadd.remote.s32 $0x1  }
0xc0: {  	_ =	sfence.sel $0xFFFF  }
0xc1: {  	[dreg:$0x0] =	wrdreg $0xFFFFFFFF;
	(pc) =	sbr.abs _section_cstart, $3  }
0xc2: {  	[dreg:$0x1] =	wrdreg $0xFFFFFFFF  }
0xc3: {  	_ =	task.clear_ibuf [dreg:s8], $0x2FFFF;
	_ =	strace $0x9FFFFFFF  }
0xc4: {  	(tm) =	ssettm $0x7FFFFFFF  }
0xc5: {  	_ =	shalt  }
tec
execute0_lowered:
.L_overlay_start_1:
0x0: {  	(tag) =	ssettag $0x1  }
0x1: {  	s0 =	rddreg [dreg:$0x1]  }
0x2: {  	s1 =	rddreg [dreg:$0x2];
	s2 =	simm.s32 $0x0;
	s5 =	stileid.u32  }
0x3: {  	s3 =	srdreg.scid;
	[smem:$0x7FF] =	sst s2;
	s25 =	sshrl.u32 s5, $0x2  }
0x4: {  	s3 =	sand.u32 $0x1, s3;
	s5 =	sshll.u32 s5, $0x1;
	_ =	strace $0x80000047  }
0x5: {  	s4 =	sshll.u32 s25, $0x11;
	s26 =	ssub.s32 $0x2, s3;
	s5 =	sand.u32 $0x6, s5  }
0x6: {  	s2 =	sshll.u32 s25, $0x4;
	s1 =	sadd.s32 s4, s1;
	s3 =	sor.u32 s3, s5  }
0x7: {  	s6 =	sshrl.u32 s26, $0x1;
	s0 =	sadd.s32 s0, s2;
	s5 =	sshll.u32 s3, $0x9  }
0x8: {  	s28 =	sshll.u32 s3, $0xE;
	s29 =	ssub.s32 s26, s6;
	s0 =	sadd.s32 s5, s0  }
0x9: {  	s30 =	sadd.s32 s28, s1;
	s31 =	smax.u32 s29, $0x1;
	[dreg:$0x1d] =	wrdreg s0  }
0xa: {  	s0 =	sadd.s32 $0x400, s30;
	[dreg:$0x1f] =	wrdreg s31  }
0xb: {  	s1 =	simm.s32 $0x0;
	[dreg:$0x1e] =	wrdreg s0  }
.LBB2_1:
0xc: {  	[smem:$0x7FD] =	sst s1  }
0xd: {  	s0 =	rddreg [dreg:$0x0]  }
0xe: {  	s28 =	simm.s32 $0x0;
	s29 =	rddreg [dreg:$0x1d];
	s30 =	simm.s32 $0x80  }
0xf: {  	[tilespmem:s28], [sflag:$0x1] =	stream.linear.gather [hbm4b:s0+s28], $0x1000, $0x38;
	[tilespmem:$0x11400] =	vst v63  }
0x10: {  	s2 =	simm.s32 $0x200;
	s3 =	simm.s32 $0x1000;
	s31 =	simm.s32 $0x1  }
0x11: {  	[tilespmem:s3], [sflag:$0x1] =	stream.strided.gather [hbm4b:s29+s30], $0x400, s2, s30, $0x38;
	[tilespmem:$0x11400] =	vst v63  }
0x12: {  	_ =	swait.ge [sflag:s31], $0x1000  }
0x13: {  	[sflag:s31] =	ssyncset.done $0x0  }
0x14: {  	[sflag:s31] =	ssyncadd.s32 $0xFFFFF000  }
0x15: {  	_ =	swait.ge [sflag:s31], $0x400  }
0x16: {  	[sflag:s31] =	ssyncset.done $0x0  }
0x17: {  	p1 =	por $0x1, $0x1;
	s0 =	simm.s32 $0x0;
	[sflag:s31] =	ssyncadd.s32 $0xFFFFFC00  }
.LBB2_2:
0x18: {  	s14 =	sshll.u32 s0, $0x9  }
0x19: {  	[smem:$0x7F5] =	sst s0;
	s0 =	sand.u32 $0x3FFFFE00, s14  }
0x1a: {  	s0 =	sadd.s32 $0x1000, s0  }
0x1b: {  	s1 =	simm.s32 $0x0;
	[dreg:$0x4] =	wrdreg s0  }
0x1c: {  	s3 =	simm.s32 $0x30;
	s2 =	sand.u32 $0x180, s1;
	s0 =	rddreg [dreg:$0x4]  }
0x1d: {  	s15 =	sand.u32 $0x70, s3;
	s0 =	sadd.s32 s2, s0  }
0x1e: {  	s16 =	simm.s32 $0x10;
	s1 =	sand.u32 $0x40, s1;
	s2 =	sadd.s32 s15, s0  }
0x1f: {  	s3 =	sand.u32 $0x50, s16;
	s1 =	sadd.s32 s1, s0;
	v0 =	vld [tilespmem:s2+$0x0]  }
0x20: {  	s4 =	simm.s32 $0x20;
	s3 =	sadd.s32 s3, s0;
	v2 =	vld [tilespmem:s1+$0x0]  }
0x21: {  	s17 =	sand.u32 $0x60, s4;
	v3 =	vld [tilespmem:s3+$0x0]  }
0x22: {  	s0 =	sadd.s32 s17, s0  }
0x23: {  	v4 =	vld [tilespmem:s0+$0x0]  }
0x24: {  	v0 =	vshll.u32 v0, $0x9  }
0x25: {  	v1 =	vshra.s32 v0, $0x2;
	v0 =	vshll.u32 v2, $0x9  }
0x26: {  	v2 =	vshll.u32 v3, $0x9;
	(v2sf) =	vpush v1, $0x0;
	v3 =	vshra.s32 v0, $0x2  }
0x27: {  	(v2sf) =	vpush v3, $0x0  }
0x28: {  	v0 =	vshra.s32 v2, $0x2;
	v2 =	vshll.u32 v4, $0x9  }
0x29: {  	v2 =	vshra.s32 v2, $0x2;
	(v2sf) =	vpush v0, $0x0  }
0x2a: {  	(v2sf) =	vpush v2, $0x0  }
0x2b: {  	(v2sf) =	vpush v3, $0x1  }
0x2c: {  	(v2sf) =	vpush v0, $0x1  }
0x2d: {  	(v2sf) =	vpush v2, $0x1  }
0x2e: {  	(v2sf) =	vpush v3, $0x2  }
0x2f: {  	(v2sf) =	vpush v0, $0x2  }
0x30: {  	(v2sf) =	vpush v2, $0x2  }
0x31: {  	(v2sf) =	vpush v3, $0x3  }
0x32: {  	(v2sf) =	vpush v1, $0x1;
	_ =	sdelay $0x1  }
0x33: {  	(v2sf) =	vpush v0, $0x3  }
0x34: {  	(v2sf) =	vpush v2, $0x3;
	s18 =	spop (v2sf)  }
0x35: {  	(v2sf) =	vpush v3, $0x4;
	v4 =	vld [tilespmem:s18+$0x0];
	s19 =	spop (v2sf)  }
0x36: {  	(v2sf) =	vpush v0, $0x4;
	v5 =	vld [tilespmem:s19+$0x0]  }
0x37: {  	s20 =	spop (v2sf);
	(v2sf) =	vpush v2, $0x4  }
0x38: {  	v6 =	vld [tilespmem:s20+$0x0];
	s21 =	spop (v2sf);
	(v2sf) =	vpush v3, $0x5  }
0x39: {  	s15 =	simm.s32 $0x2400;
	v7 =	vld [tilespmem:s21+$0x0];
	s22 =	spop (v2sf);
	(v2sf) =	vpush v0, $0x5  }
0x3a: {  	s5 =	spop (v2sf);
	(v2sf) =	vpush v2, $0x5;
	[tilespmem:s15+$0x800] =	vst v4  }
0x3b: {  	(v2sf) =	vpush v3, $0x6;
	s6 =	spop (v2sf);
	v4 =	vld [tilespmem:s18+$0x10];
	[tilespmem:s15+$0xFFFFF000] =	vst v5  }
0x3c: {  	s8 =	spop (v2sf);
	(v2sf) =	vpush v0, $0x6;
	v5 =	vld [tilespmem:s19+$0x10]  }
0x3d: {  	[tilespmem:s15+$0xFFFFF800] =	vst v6;
	s29 =	spop (v2sf);
	(v2sf) =	vpush v1, $0x2  }
0x3e: {  	v6 =	vld [tilespmem:s20+$0x10];
	[tilespmem:s15+$0x0] =	vst v7;
	s7 =	spop (v2sf);
	(v2sf) =	vpush v2, $0x6  }
0x3f: {  	v7 =	vld [tilespmem:s21+$0x10];
	s9 =	spop (v2sf);
	(v2sf) =	vpush v3, $0x7  }
0x40: {  	s10 =	spop (v2sf);
	(v2sf) =	vpush v0, $0x7;
	[tilespmem:s15+$0x810] =	vst v4  }
0x41: {  	(v2sf) =	vpush v2, $0x7;
	v4 =	vld [tilespmem:s10+$0x0];
	[tilespmem:s15+$0xFFFFF010] =	vst v5  }
0x42: {  	s26 =	spop (v2sf);
	v5 =	vld [tilespmem:s22+$0x0]  }
0x43: {  	(v2sf) =	vpush v3, $0x8;
	s28 =	spop (v2sf);
	[tilespmem:s15+$0xFFFFF810] =	vst v6  }
0x44: {  	v6 =	vld [tilespmem:s5+$0x0];
	[tilespmem:s15+$0x10] =	vst v7;
	s24 =	spop (v2sf);
	(v2sf) =	vpush v0, $0x8  }
0x45: {  	v7 =	vld [tilespmem:s6+$0x0];
	s23 =	spop (v2sf);
	(v2sf) =	vpush v2, $0x8  }
0x46: {  	(v2sf) =	vpush v3, $0x9;
	s25 =	spop (v2sf);
	[tilespmem:s15+$0x880] =	vst v4  }
0x47: {  	s20 =	spop (v2sf);
	(v2sf) =	vpush v0, $0x9;
	v4 =	vld [tilespmem:s10+$0x10];
	[tilespmem:s15+$0xFFFFF080] =	vst v5  }
0x48: {  	s21 =	spop (v2sf);
	(v2sf) =	vpush v2, $0x9;
	v5 =	vld [tilespmem:s22+$0x10]  }
0x49: {  	[tilespmem:s15+$0xFFFFF880] =	vst v6;
	s22 =	spop (v2sf);
	(v2sf) =	vpush v1, $0x3  }
0x4a: {  	v6 =	vld [tilespmem:s5+$0x10];
	[tilespmem:s15+$0x80] =	vst v7;
	s18 =	spop (v2sf);
	(v2sf) =	vpush v3, $0xA  }
0x4b: {  	v7 =	vld [tilespmem:s6+$0x10];
	s17 =	spop (v2sf);
	(v2sf) =	vpush v0, $0xA  }
0x4c: {  	s11 =	spop (v2sf);
	(v2sf) =	vpush v2, $0xA;
	[tilespmem:s15+$0x890] =	vst v4  }
0x4d: {  	s19 =	spop (v2sf);
	(v2sf) =	vpush v3, $0xB;
	v4 =	vld [tilespmem:s11+$0x0];
	[tilespmem:s15+$0xFFFFF090] =	vst v5  }
0x4e: {  	s13 =	spop (v2sf);
	(v2sf) =	vpush v0, $0xB;
	v5 =	vld [tilespmem:s8+$0x0]  }
0x4f: {  	[tilespmem:s15+$0xFFFFF890] =	vst v6;
	s14 =	spop (v2sf);
	(v2sf) =	vpush v2, $0xB  }
0x50: {  	v6 =	vld [tilespmem:s29+$0x0];
	[tilespmem:s15+$0x90] =	vst v7;
	s16 =	spop (v2sf);
	(v2sf) =	vpush v3, $0xC  }
0x51: {  	v7 =	vld [tilespmem:s7+$0x0]  }
0x52: {  	s12 =	spop (v2sf);
	[tilespmem:s15+$0x900] =	vst v4  }
0x53: {  	(v2sf) =	vpush v0, $0xC;
	v4 =	vld [tilespmem:s11+$0x10];
	s11 =	spop (v2sf);
	[tilespmem:s15+$0xFFFFF100] =	vst v5  }
0x54: {  	(v2sf) =	vpush v2, $0xC;
	s10 =	spop (v2sf);
	v5 =	vld [tilespmem:s8+$0x10]  }
0x55: {  	[tilespmem:s15+$0xFFFFF900] =	vst v6;
	s8 =	spop (v2sf)  }
0x56: {  	(v2sf) =	vpush v3, $0xD;
	v6 =	vld [tilespmem:s29+$0x10];
	[tilespmem:s15+$0x100] =	vst v7;
	s6 =	spop (v2sf)  }
0x57: {  	v7 =	vld [tilespmem:s7+$0x10];
	s7 =	spop (v2sf)  }
0x58: {  	(v2sf) =	vpush v1, $0x4;
	[tilespmem:s15+$0x910] =	vst v4;
	s29 =	spop (v2sf)  }
0x59: {  	v4 =	vld [tilespmem:s29+$0x0];
	[tilespmem:s15+$0xFFFFF110] =	vst v5;
	s5 =	spop (v2sf)  }
0x5a: {  	(v2sf) =	vpush v0, $0xD;
	v5 =	vld [tilespmem:s9+$0x0];
	s4 =	spop (v2sf)  }
0x5b: {  	(v2sf) =	vpush v2, $0xD;
	[tilespmem:s15+$0xFFFFF910] =	vst v6;
	s2 =	spop (v2sf)  }
0x5c: {  	(v2sf) =	vpush v3, $0xE;
	v6 =	vld [tilespmem:s26+$0x0];
	s1 =	spop (v2sf)  }
0x5d: {  	(v2sf) =	vpush v0, $0xE;
	[tilespmem:s15+$0x110] =	vst v7;
	s0 =	spop (v2sf)  }
0x5e: {  	(v2sf) =	vpush v2, $0xE;
	v7 =	vld [tilespmem:s28+$0x0];
	[tilespmem:s15+$0x980] =	vst v4;
	s3 =	spop (v2sf)  }
0x5f: {  	(v2sf) =	vpush v3, $0xF;
	v3 =	vld [tilespmem:s29+$0x10];
	[tilespmem:s15+$0xFFFFF180] =	vst v5;
	s29 =	spop (v2sf)  }
0x60: {  	(v2sf) =	vpush v0, $0xF;
	[smem:$0x7F6] =	sst s29  }
0x61: {  	(v2sf) =	vpush v2, $0xF;
	v0 =	vld [tilespmem:s9+$0x10];
	[tilespmem:s15+$0xFFFFF980] =	vst v6  }
0x62: {  	s9 =	spop (v2sf)  }
0x63: {  	[tilespmem:s15+$0x180] =	vst v7;
	s29 =	spop (v2sf)  }
0x64: {  	v2 =	vld [tilespmem:s26+$0x10];
	[smem:$0x7F7] =	sst s29  }
0x65: {  	v4 =	vld [tilespmem:s28+$0x10];
	s28 =	spop (v2sf)  }
0x66: {  	[smem:$0x7F8] =	sst s28  }
0x67: {  	s26 =	spop (v2sf);
	[tilespmem:s15+$0x990] =	vst v3  }
0x68: {  	(v2sf) =	vpush v1, $0x5;
	[tilespmem:s15+$0xFFFFF190] =	vst v0;
	v3 =	vld [tilespmem:s26+$0x0]  }
0x69: {  	[tilespmem:s15+$0xFFFFF990] =	vst v2  }
0x6a: {  	s29 =	spop (v2sf);
	v0 =	vld [tilespmem:s24+$0x0];
	[tilespmem:s15+$0x190] =	vst v4  }
0x6b: {  	v2 =	vld [tilespmem:s23+$0x0];
	[smem:$0x7F9] =	sst s29;
	s29 =	spop (v2sf)  }
0x6c: {  	v4 =	vld [tilespmem:s25+$0x0];
	[smem:$0x7FA] =	sst s29  }
0x6d: {  	s29 =	spop (v2sf);
	[tilespmem:s15+$0xA00] =	vst v3  }
0x6e: {  	[smem:$0x7FB] =	sst s29;
	s29 =	spop (v2sf)  }
0x6f: {  	v3 =	vld [tilespmem:s26+$0x10];
	[smem:$0x7FC] =	sst s29  }
0x70: {  	s28 =	spop (v2sf);
	[tilespmem:s15+$0xFFFFF200] =	vst v0  }
0x71: {  	[dreg:$0x15] =	wrdreg s28  }
0x72: {  	s29 =	spop (v2sf);
	[tilespmem:s15+$0xFFFFFA00] =	vst v2  }
0x73: {  	v0 =	vld [tilespmem:s24+$0x10];
	[dreg:$0x6] =	wrdreg s29  }
0x74: {  	(v2sf) =	vpush v1, $0x6;
	s31 =	spop (v2sf);
	[tilespmem:s15+$0x200] =	vst v4  }
0x75: {  	v4 =	vld [tilespmem:s25+$0x10];
	s25 =	spop (v2sf)  }
0x76: {  	v2 =	vld [tilespmem:s23+$0x10];
	[dreg:$0x5] =	wrdreg s25  }
0x77: {  	s26 =	spop (v2sf);
	[tilespmem:s15+$0xA10] =	vst v3  }
0x78: {  	v3 =	vld [tilespmem:s26+$0x0];
	_ =	sdelay $0x1  }
0x79: {  	[tilespmem:s15+$0xFFFFF210] =	vst v0  }
0x7a: {  	v0 =	vld [tilespmem:s20+$0x0]  }
0x7b: {  	[tilespmem:s15+$0x210] =	vst v4  }
0x7c: {  	v4 =	vld [tilespmem:s22+$0x0];
	[tilespmem:s15+$0xA80] =	vst v3  }
0x7d: {  	[tilespmem:s15+$0xFFFFFA10] =	vst v2;
	v3 =	vld [tilespmem:s26+$0x10]  }
0x7e: {  	v2 =	vld [tilespmem:s21+$0x0]  }
0x7f: {  	(v2sf) =	vpush v1, $0x7;
	[tilespmem:s15+$0xFFFFF280] =	vst v0  }
0x80: {  	v0 =	vld [tilespmem:s20+$0x10]  }
0x81: {  	[tilespmem:s15+$0x280] =	vst v4  }
0x82: {  	s28 =	spop (v2sf);
	v4 =	vld [tilespmem:s22+$0x10];
	[tilespmem:s15+$0xA90] =	vst v3  }
0x83: {  	[tilespmem:s15+$0xFFFFFA80] =	vst v2;
	v3 =	vld [tilespmem:s28+$0x0]  }
0x84: {  	v2 =	vld [tilespmem:s21+$0x10]  }
0x85: {  	[tilespmem:s15+$0xFFFFF290] =	vst v0  }
0x86: {  	v0 =	vld [tilespmem:s18+$0x0]  }
0x87: {  	[tilespmem:s15+$0x290] =	vst v4  }
0x88: {  	v4 =	vld [tilespmem:s19+$0x0];
	[tilespmem:s15+$0xB00] =	vst v3  }
0x89: {  	[tilespmem:s15+$0xFFFFFA90] =	vst v2;
	v3 =	vld [tilespmem:s28+$0x10]  }
0x8a: {  	v2 =	vld [tilespmem:s17+$0x0]  }
0x8b: {  	(v2sf) =	vpush v1, $0x8;
	[tilespmem:s15+$0xFFFFF300] =	vst v0  }
0x8c: {  	v0 =	vld [tilespmem:s18+$0x10]  }
0x8d: {  	[tilespmem:s15+$0x300] =	vst v4  }
0x8e: {  	s29 =	spop (v2sf);
	v4 =	vld [tilespmem:s19+$0x10];
	[tilespmem:s15+$0xB10] =	vst v3  }
0x8f: {  	[tilespmem:s15+$0xFFFFFB00] =	vst v2;
	v3 =	vld [tilespmem:s29+$0x0]  }
0x90: {  	v2 =	vld [tilespmem:s17+$0x10]  }
0x91: {  	[tilespmem:s15+$0xFFFFF310] =	vst v0  }
0x92: {  	v0 =	vld [tilespmem:s13+$0x0]  }
0x93: {  	[tilespmem:s15+$0x310] =	vst v4  }
0x94: {  	v4 =	vld [tilespmem:s16+$0x0];
	[tilespmem:s15+$0xB80] =	vst v3  }
0x95: {  	[tilespmem:s15+$0xFFFFFB10] =	vst v2;
	v3 =	vld [tilespmem:s29+$0x10]  }
0x96: {  	v2 =	vld [tilespmem:s14+$0x0]  }
0x97: {  	(v2sf) =	vpush v1, $0x9;
	[tilespmem:s15+$0xFFFFF380] =	vst v0  }
0x98: {  	v0 =	vld [tilespmem:s13+$0x10]  }
0x99: {  	[tilespmem:s15+$0x380] =	vst v4  }
0x9a: {  	v4 =	vld [tilespmem:s16+$0x10];
	s16 =	spop (v2sf);
	[tilespmem:s15+$0xB90] =	vst v3  }
0x9b: {  	[tilespmem:s15+$0xFFFFFB80] =	vst v2;
	v3 =	vld [tilespmem:s16+$0x0]  }
0x9c: {  	v2 =	vld [tilespmem:s14+$0x10]  }
0x9d: {  	[tilespmem:s15+$0xFFFFF390] =	vst v0  }
0x9e: {  	v0 =	vld [tilespmem:s12+$0x0]  }
0x9f: {  	s21 =	simm.s32 $0x40;
	[tilespmem:s15+$0x390] =	vst v4  }
0xa0: {  	s18 =	sand.u32 $0x180, s21;
	s17 =	rddreg [dreg:$0x4];
	v4 =	vld [tilespmem:s10+$0x0];
	[tilespmem:s15+$0xC00] =	vst v3  }
0xa1: {  	s26 =	sand.u32 $0x40, s21;
	s20 =	sadd.s32 s18, s17;
	[tilespmem:s15+$0xFFFFFB90] =	vst v2;
	v3 =	vld [tilespmem:s16+$0x10]  }
0xa2: {  	s19 =	simm.s32 $0x70;
	s29 =	sadd.s32 s26, s20;
	v2 =	vld [tilespmem:s11+$0x0]  }
0xa3: {  	(v2sf) =	vpush v1, $0xA;
	s22 =	sand.u32 $0x70, s19;
	v7 =	vld [tilespmem:s29+$0x0];
	[tilespmem:s15+$0xFFFFF400] =	vst v0  }
0xa4: {  	v0 =	vld [tilespmem:s12+$0x10];
	s12 =	sadd.s32 s22, s20  }
0xa5: {  	v5 =	vld [tilespmem:s12+$0x0];
	[tilespmem:s15+$0x400] =	vst v4  }
0xa6: {  	s23 =	simm.s32 $0x50;
	s24 =	spop (v2sf);
	v4 =	vld [tilespmem:s10+$0x10];
	[tilespmem:s15+$0xC10] =	vst v3  }
0xa7: {  	s25 =	simm.s32 $0x60;
	[tilespmem:s15+$0xFFFFFC00] =	vst v2;
	s10 =	sand.u32 $0x50, s23;
	v3 =	vld [tilespmem:s24+$0x0]  }
0xa8: {  	s28 =	sand.u32 $0x60, s25;
	v2 =	vld [tilespmem:s11+$0x10];
	s10 =	sadd.s32 s10, s20  }
0xa9: {  	v6 =	vld [tilespmem:s10+$0x0];
	s10 =	sadd.s32 s28, s20  }
0xaa: {  	[tilespmem:s15+$0xFFFFF410] =	vst v0;
	v8 =	vld [tilespmem:s10+$0x0]  }
0xab: {  	v9 =	vld [tilespmem:s8+$0x0]  }
0xac: {  	v0 =	vshll.u32 v5, $0x9;
	[tilespmem:s15+$0xC80] =	vst v3  }
0xad: {  	v0 =	vshra.s32 v0, $0x2;
	v5 =	vld [tilespmem:s24+$0x10]  }
0xae: {  	[tilespmem:s15+$0xFFFFFC10] =	vst v2;
	v2 =	vshll.u32 v7, $0x9;
	(v2sf) =	vpush v0, $0x0  }
0xaf: {  	[tilespmem:s15+$0x410] =	vst v4;
	v7 =	vld [tilespmem:s6+$0x0];
	v4 =	vshra.s32 v2, $0x2;
	(v2sf) =	vpush v1, $0xB;
	v3 =	vshll.u32 v6, $0x9  }
0xb0: {  	(v2sf) =	vpush v4, $0x0;
	v6 =	vld [tilespmem:s7+$0x0];
	[tilespmem:s15+$0xFFFFF480] =	vst v9;
	v2 =	vshra.s32 v3, $0x2;
	v3 =	vshll.u32 v8, $0x9  }
0xb1: {  	v54 =	vld [tilespmem:s8+$0x10];
	v3 =	vshra.s32 v3, $0x2;
	(v2sf) =	vpush v2, $0x0  }
0xb2: {  	s13 =	spop (v2sf);
	(v2sf) =	vpush v3, $0x0;
	[tilespmem:s15+$0xC90] =	vst v5  }
0xb3: {  	(v2sf) =	vpush v4, $0x1;
	v5 =	vld [tilespmem:s13+$0x0]  }
0xb4: {  	[tilespmem:s15+$0xFFFFFC80] =	vst v7;
	(v2sf) =	vpush v2, $0x1  }
0xb5: {  	v7 =	vld [tilespmem:s6+$0x10];
	[tilespmem:s15+$0x480] =	vst v6;
	(v2sf) =	vpush v3, $0x1  }
0xb6: {  	v6 =	vld [tilespmem:s7+$0x10];
	[tilespmem:s15+$0xFFFFF490] =	vst v54;
	(v2sf) =	vpush v4, $0x2  }
0xb7: {  	v8 =	vld [tilespmem:s5+$0x0];
	(v2sf) =	vpush v2, $0x2  }
0xb8: {  	(v2sf) =	vpush v3, $0x2;
	[tilespmem:s15+$0xD00] =	vst v5  }
0xb9: {  	(v2sf) =	vpush v4, $0x3;
	v5 =	vld [tilespmem:s13+$0x10]  }
0xba: {  	[tilespmem:s15+$0xFFFFFC90] =	vst v7;
	(v2sf) =	vpush v0, $0x1  }
0xbb: {  	v7 =	vld [tilespmem:s4+$0x0];
	[tilespmem:s15+$0x490] =	vst v6;
	(v2sf) =	vpush v1, $0xC  }
0xbc: {  	v6 =	vld [tilespmem:s2+$0x0];
	[tilespmem:s15+$0xFFFFF500] =	vst v8;
	(v2sf) =	vpush v2, $0x3  }
0xbd: {  	s14 =	spop (v2sf);
	v8 =	vld [tilespmem:s5+$0x10];
	(v2sf) =	vpush v3, $0x3  }
0xbe: {  	v55 =	vld [tilespmem:s14+$0x0];
	s16 =	spop (v2sf);
	(v2sf) =	vpush v4, $0x4;
	[tilespmem:s15+$0xD10] =	vst v5  }
0xbf: {  	s17 =	spop (v2sf);
	(v2sf) =	vpush v2, $0x4;
	v5 =	vld [tilespmem:s16+$0x0]  }
0xc0: {  	[tilespmem:s15+$0xFFFFFD00] =	vst v7;
	v7 =	vld [tilespmem:s17+$0x0];
	s18 =	spop (v2sf);
	(v2sf) =	vpush v3, $0x4  }
0xc1: {  	[tilespmem:s15+$0x500] =	vst v6;
	v6 =	vld [tilespmem:s18+$0x0];
	(v2sf) =	vpush v4, $0x5;
	s19 =	spop (v2sf)  }
0xc2: {  	s20 =	simm.s32 $0x4400;
	v56 =	vld [tilespmem:s4+$0x10];
	[tilespmem:s15+$0xFFFFF510] =	vst v8;
	s22 =	spop (v2sf);
	(v2sf) =	vpush v2, $0x5  }
0xc3: {  	[tilespmem:s20+$0x800] =	vst v55;
	v10 =	vld [tilespmem:s19+$0x0];
	s23 =	spop (v2sf);
	(v2sf) =	vpush v3, $0x5  }
0xc4: {  	v9 =	vld [tilespmem:s14+$0x10];
	(v2sf) =	vpush v4, $0x6;
	s24 =	spop (v2sf);
	[tilespmem:s15+$0xD80] =	vst v5  }
0xc5: {  	[tilespmem:s20+$0xFFFFF000] =	vst v7;
	s4 =	spop (v2sf);
	(v2sf) =	vpush v2, $0x6;
	v5 =	vld [tilespmem:s16+$0x10]  }
0xc6: {  	v7 =	vld [tilespmem:s17+$0x10];
	[tilespmem:s20+$0xFFFFF800] =	vst v6;
	s6 =	spop (v2sf);
	(v2sf) =	vpush v0, $0x2  }
0xc7: {  	[tilespmem:s15+$0xFFFFFD10] =	vst v56;
	v6 =	vld [tilespmem:s18+$0x10];
	s7 =	spop (v2sf);
	(v2sf) =	vpush v1, $0xD  }
0xc8: {  	v57 =	vld [tilespmem:s2+$0x10];
	[tilespmem:s20+$0x0] =	vst v10;
	s16 =	spop (v2sf);
	(v2sf) =	vpush v3, $0x6  }
0xc9: {  	[tilespmem:s20+$0x810] =	vst v9;
	v10 =	vld [tilespmem:s19+$0x10];
	(v2sf) =	vpush v4, $0x7;
	s26 =	spop (v2sf)  }
0xca: {  	v9 =	vld [tilespmem:s26+$0x0];
	(v2sf) =	vpush v2, $0x7;
	s28 =	spop (v2sf);
	[tilespmem:s15+$0xD90] =	vst v5  }
0xcb: {  	[tilespmem:s20+$0xFFFFF010] =	vst v7;
	(v2sf) =	vpush v3, $0x7;
	s2 =	spop (v2sf);
	v5 =	vld [tilespmem:s28+$0x0]  }
0xcc: {  	v7 =	vld [tilespmem:s22+$0x0];
	[tilespmem:s20+$0xFFFFF810] =	vst v6;
	(v2sf) =	vpush v4, $0x8;
	s30 =	spop (v2sf)  }
0xcd: {  	[tilespmem:s15+$0x510] =	vst v57;
	v6 =	vld [tilespmem:s23+$0x0];
	(v2sf) =	vpush v2, $0x8;
	s11 =	spop (v2sf)  }
0xce: {  	v58 =	vld [tilespmem:s1+$0x0];
	[tilespmem:s20+$0x10] =	vst v10;
	(v2sf) =	vpush v3, $0x8;
	s13 =	spop (v2sf)  }
0xcf: {  	v10 =	vld [tilespmem:s24+$0x0];
	[tilespmem:s20+$0x880] =	vst v9;
	(v2sf) =	vpush v4, $0x9;
	s29 =	spop (v2sf)  }
0xd0: {  	v9 =	vld [tilespmem:s26+$0x10];
	s25 =	spop (v2sf);
	[tilespmem:s15+$0xE00] =	vst v5  }
0xd1: {  	[tilespmem:s20+$0xFFFFF080] =	vst v7;
	(v2sf) =	vpush v2, $0x9;
	s26 =	spop (v2sf);
	v5 =	vld [tilespmem:s28+$0x10]  }
0xd2: {  	v7 =	vld [tilespmem:s22+$0x10];
	[tilespmem:s20+$0xFFFFF880] =	vst v6;
	s28 =	spop (v2sf)  }
0xd3: {  	[tilespmem:s15+$0xFFFFF580] =	vst v58;
	(v2sf) =	vpush v3, $0x9;
	v6 =	vld [tilespmem:s23+$0x10];
	s22 =	spop (v2sf)  }
0xd4: {  	v59 =	vld [tilespmem:s0+$0x0];
	[tilespmem:s20+$0x80] =	vst v10;
	s23 =	spop (v2sf)  }
0xd5: {  	(v2sf) =	vpush v0, $0x3;
	v10 =	vld [tilespmem:s24+$0x10];
	[tilespmem:s20+$0x890] =	vst v9;
	s12 =	spop (v2sf)  }
0xd6: {  	(v2sf) =	vpush v1, $0xE;
	v9 =	vld [tilespmem:s12+$0x0];
	s14 =	spop (v2sf);
	[tilespmem:s15+$0xE10] =	vst v5  }
0xd7: {  	(v2sf) =	vpush v4, $0xA;
	[tilespmem:s20+$0xFFFFF090] =	vst v7;
	s24 =	spop (v2sf);
	v5 =	vld [tilespmem:s14+$0x0]  }
0xd8: {  	(v2sf) =	vpush v2, $0xA;
	v7 =	vld [tilespmem:s4+$0x0];
	[tilespmem:s20+$0xFFFFF890] =	vst v6;
	s17 =	spop (v2sf)  }
0xd9: {  	[tilespmem:s15+$0xFFFFFD80] =	vst v59;
	(v2sf) =	vpush v3, $0xA;
	v6 =	vld [tilespmem:s6+$0x0];
	s18 =	spop (v2sf)  }
0xda: {  	v60 =	vld [tilespmem:s3+$0x0];
	(v2sf) =	vpush v4, $0xB;
	[tilespmem:s20+$0x90] =	vst v10;
	s19 =	spop (v2sf)  }
0xdb: {  	(v2sf) =	vpush v2, $0xB;
	v10 =	vld [tilespmem:s7+$0x0];
	[tilespmem:s20+$0x900] =	vst v9;
	s5 =	spop (v2sf)  }
0xdc: {  	(v2sf) =	vpush v3, $0xB;
	v9 =	vld [tilespmem:s12+$0x10];
	s12 =	spop (v2sf);
	[tilespmem:s15+$0xE80] =	vst v5  }
0xdd: {  	(v2sf) =	vpush v4, $0xC;
	[tilespmem:s20+$0xFFFFF100] =	vst v7;
	v5 =	vld [tilespmem:s14+$0x10];
	s14 =	spop (v2sf)  }
0xde: {  	(v2sf) =	vpush v2, $0xC;
	v7 =	vld [tilespmem:s4+$0x10];
	s4 =	rddreg [dreg:$0x15];
	[tilespmem:s20+$0xFFFFF900] =	vst v6;
	s10 =	spop (v2sf)  }
0xdf: {  	(v2sf) =	vpush v3, $0xC;
	[dreg:$0xf] =	wrdreg s10  }
0xe0: {  	(v2sf) =	vpush v4, $0xD;
	s10 =	spop (v2sf);
	[tilespmem:s20+$0x100] =	vst v10  }
0xe1: {  	(v2sf) =	vpush v0, $0x4;
	v6 =	vld [tilespmem:s6+$0x10];
	[dreg:$0x11] =	wrdreg s10  }
0xe2: {  	(v2sf) =	vpush v1, $0xF;
	v1 =	vld [tilespmem:s7+$0x10];
	[tilespmem:s15+$0x580] =	vst v60;
	s7 =	spop (v2sf)  }
0xe3: {  	[dreg:$0x10] =	wrdreg s7  }
0xe4: {  	v61 =	vld [tilespmem:s1+$0x10];
	[tilespmem:s20+$0x910] =	vst v9;
	s1 =	spop (v2sf)  }
0xe5: {  	[tilespmem:s15+$0xE90] =	vst v5;
	s7 =	spop (v2sf)  }
0xe6: {  	[tilespmem:s20+$0xFFFFF110] =	vst v7;
	v9 =	vld [tilespmem:s1+$0x0];
	s8 =	spop (v2sf)  }
0xe7: {  	v5 =	vld [tilespmem:s7+$0x0];
	[dreg:$0xe] =	wrdreg s8  }
0xe8: {  	s10 =	spop (v2sf);
	[tilespmem:s20+$0xFFFFF910] =	vst v6  }
0xe9: {  	v7 =	vld [tilespmem:s16+$0x0];
	[dreg:$0xd] =	wrdreg s10  }
0xea: {  	s8 =	spop (v2sf);
	[tilespmem:s20+$0x110] =	vst v1  }
0xeb: {  	v6 =	vld [tilespmem:s2+$0x0];
	[dreg:$0xc] =	wrdreg s8  }
0xec: {  	s10 =	spop (v2sf);
	[tilespmem:s15+$0xFFFFF590] =	vst v61  }
0xed: {  	v1 =	vld [tilespmem:s30+$0x0];
	[dreg:$0xa] =	wrdreg s10  }
0xee: {  	(v2sf) =	vpush v2, $0xD;
	s8 =	spop (v2sf);
	[tilespmem:s20+$0x980] =	vst v9  }
0xef: {  	(v2sf) =	vpush v3, $0xD;
	v62 =	vld [tilespmem:s0+$0x10];
	[dreg:$0x8] =	wrdreg s8  }
0xf0: {  	(v2sf) =	vpush v4, $0xE;
	s10 =	spop (v2sf);
	[tilespmem:s15+$0xF00] =	vst v5  }
0xf1: {  	(v2sf) =	vpush v2, $0xE;
	v9 =	vld [tilespmem:s1+$0x10];
	[dreg:$0x9] =	wrdreg s10  }
0xf2: {  	(v2sf) =	vpush v3, $0xE;
	s1 =	spop (v2sf);
	[tilespmem:s20+$0xFFFFF180] =	vst v7  }
0xf3: {  	(v2sf) =	vpush v4, $0xF;
	v4 =	vld [tilespmem:s7+$0x10];
	[dreg:$0x7] =	wrdreg s1  }
0xf4: {  	(v2sf) =	vpush v2, $0xF;
	s6 =	spop (v2sf);
	v2 =	vld [tilespmem:s16+$0x10];
	[tilespmem:s20+$0xFFFFF980] =	vst v6  }
0xf5: {  	(v2sf) =	vpush v3, $0xF;
	[tilespmem:s20+$0x180] =	vst v1;
	v3 =	vld [tilespmem:s2+$0x10];
	s2 =	spop (v2sf)  }
0xf6: {  	[dreg:$0xb] =	wrdreg s2  }
0xf7: {  	s8 =	spop (v2sf);
	v1 =	vld [tilespmem:s30+$0x10];
	[tilespmem:s15+$0xFFFFFD90] =	vst v62  }
0xf8: {  	v5 =	vld [tilespmem:s3+$0x10];
	[tilespmem:s20+$0x990] =	vst v9;
	s3 =	spop (v2sf)  }
0xf9: {  	(v2sf) =	vpush v0, $0x5;
	[tilespmem:s15+$0xF10] =	vst v4;
	v6 =	vld [tilespmem:s3+$0x0]  }
0xfa: {  	s7 =	spop (v2sf);
	[tilespmem:s20+$0xFFFFF190] =	vst v2  }
0xfb: {  	v2 =	vld [tilespmem:s7+$0x0];
	[tilespmem:s20+$0xFFFFF990] =	vst v3  }
0xfc: {  	[tilespmem:s20+$0x190] =	vst v1  }
0xfd: {  	v4 =	vld [tilespmem:s11+$0x0];
	[tilespmem:s15+$0x590] =	vst v5  }
0xfe: {  	v3 =	vld [tilespmem:s13+$0x0];
	[tilespmem:s20+$0xA00] =	vst v6  }
0xff: {  	s10 =	spop (v2sf);
	v1 =	vld [tilespmem:s29+$0x0];
	s2 =	sld [smem:$0x7F6]  }
0x100: {  	s30 =	spop (v2sf);
	v6 =	vld [tilespmem:s3+$0x10];
	[tilespmem:s15+$0xF80] =	vst v2  }
0x101: {  	s3 =	spop (v2sf);
	v2 =	vld [tilespmem:s7+$0x10]  }
0x102: {  	[tilespmem:s20+$0xFFFFF200] =	vst v4;
	s7 =	spop (v2sf);
	v5 =	vld [tilespmem:s2+$0x0]  }
0x103: {  	[tilespmem:s20+$0xFFFFFA00] =	vst v3;
	s16 =	spop (v2sf)  }
0x104: {  	v4 =	vld [tilespmem:s11+$0x10];
	[dreg:$0x13] =	wrdreg s16  }
0x105: {  	s16 =	spop (v2sf);
	[tilespmem:s20+$0x200] =	vst v1  }
0x106: {  	v3 =	vld [tilespmem:s13+$0x10];
	s13 =	spop (v2sf);
	[tilespmem:s20+$0xA10] =	vst v6  }
0x107: {  	v1 =	vld [tilespmem:s29+$0x10];
	s11 =	spop (v2sf);
	[tilespmem:s15+$0xFFFFF600] =	vst v5  }
0x108: {  	s29 =	spop (v2sf);
	v5 =	vld [tilespmem:s9+$0x0];
	s1 =	sld [smem:$0x7F7];
	[tilespmem:s15+$0xF90] =	vst v2  }
0x109: {  	[tilespmem:s20+$0xFFFFF210] =	vst v4;
	v2 =	vld [tilespmem:s29+$0x0]  }
0x10a: {  	(v2sf) =	vpush v0, $0x6;
	v4 =	vld [tilespmem:s25+$0x0]  }
0x10b: {  	[tilespmem:s20+$0xFFFFFA10] =	vst v3;
	v6 =	vld [tilespmem:s1+$0x0]  }
0x10c: {  	v3 =	vld [tilespmem:s26+$0x0];
	[tilespmem:s20+$0x210] =	vst v1  }
0x10d: {  	v1 =	vld [tilespmem:s28+$0x0];
	[tilespmem:s15+$0xFFFFFE00] =	vst v5  }
0x10e: {  	v5 =	vld [tilespmem:s2+$0x10];
	[tilespmem:s20+$0xA80] =	vst v2  }
0x10f: {  	v2 =	vld [tilespmem:s29+$0x10];
	[tilespmem:s20+$0xFFFFF280] =	vst v4  }
0x110: {  	[tilespmem:s15+$0x600] =	vst v6;
	v6 =	vld [tilespmem:s9+$0x10]  }
0x111: {  	[tilespmem:s20+$0xFFFFFA80] =	vst v3  }
0x112: {  	[tilespmem:s20+$0x280] =	vst v1  }
0x113: {  	[tilespmem:s15+$0xFFFFF610] =	vst v5  }
0x114: {  	v4 =	vld [tilespmem:s25+$0x10];
	[tilespmem:s20+$0xA90] =	vst v2  }
0x115: {  	v3 =	vld [tilespmem:s26+$0x10];
	[tilespmem:s15+$0xFFFFFE10] =	vst v6  }
0x116: {  	(v2sf) =	vpush v0, $0x7;
	v1 =	vld [tilespmem:s28+$0x10];
	s28 =	sld [smem:$0x7F8];
	_ =	sdelay $0x1  }
0x117: {  	v5 =	vld [tilespmem:s1+$0x10]  }
0x118: {  	s29 =	spop (v2sf);
	v2 =	vld [tilespmem:s28+$0x0]  }
0x119: {  	[tilespmem:s20+$0xFFFFF290] =	vst v4;
	v4 =	vld [tilespmem:s29+$0x0]  }
0x11a: {  	[tilespmem:s20+$0xFFFFFA90] =	vst v3;
	v6 =	vld [tilespmem:s22+$0x0]  }
0x11b: {  	[tilespmem:s20+$0x290] =	vst v1  }
0x11c: {  	[tilespmem:s15+$0x610] =	vst v5  }
0x11d: {  	v3 =	vld [tilespmem:s23+$0x0];
	[tilespmem:s15+$0xFFFFF680] =	vst v2  }
0x11e: {  	v1 =	vld [tilespmem:s24+$0x0];
	s1 =	sld [smem:$0x7F9];
	[tilespmem:s20+$0xB00] =	vst v4  }
0x11f: {  	s25 =	sld [smem:$0x7FA];
	v5 =	vld [tilespmem:s29+$0x10];
	[tilespmem:s20+$0xFFFFF300] =	vst v6  }
0x120: {  	v6 =	vld [tilespmem:s22+$0x10]  }
0x121: {  	v2 =	vld [tilespmem:s1+$0x0]  }
0x122: {  	[tilespmem:s20+$0xFFFFFB00] =	vst v3;
	v4 =	vld [tilespmem:s25+$0x0]  }
0x123: {  	[tilespmem:s20+$0x300] =	vst v1;
	v3 =	vld [tilespmem:s23+$0x10]  }
0x124: {  	s26 =	spop (v2sf);
	v1 =	vld [tilespmem:s24+$0x10];
	[tilespmem:s20+$0xB10] =	vst v5  }
0x125: {  	(v2sf) =	vpush v0, $0x8;
	[tilespmem:s20+$0xFFFFF310] =	vst v6;
	v5 =	vld [tilespmem:s26+$0x0]  }
0x126: {  	[tilespmem:s15+$0xFFFFFE80] =	vst v2;
	v2 =	vld [tilespmem:s28+$0x10]  }
0x127: {  	[tilespmem:s15+$0x680] =	vst v4;
	v4 =	vld [tilespmem:s1+$0x10]  }
0x128: {  	[tilespmem:s20+$0xFFFFFB10] =	vst v3;
	v6 =	vld [tilespmem:s17+$0x0]  }
0x129: {  	[tilespmem:s20+$0x310] =	vst v1;
	v3 =	vld [tilespmem:s18+$0x0]  }
0x12a: {  	v1 =	vld [tilespmem:s19+$0x0];
	[tilespmem:s20+$0xB80] =	vst v5  }
0x12b: {  	[tilespmem:s15+$0xFFFFF690] =	vst v2  }
0x12c: {  	[tilespmem:s15+$0xFFFFFE90] =	vst v4  }
0x12d: {  	v2 =	vld [tilespmem:s25+$0x10];
	s28 =	sld [smem:$0x7FB];
	[tilespmem:s20+$0xFFFFF380] =	vst v6  }
0x12e: {  	v5 =	vld [tilespmem:s26+$0x10];
	[tilespmem:s20+$0xFFFFFB80] =	vst v3  }
0x12f: {  	[tilespmem:s20+$0x380] =	vst v1;
	v6 =	vld [tilespmem:s17+$0x10]  }
0x130: {  	s29 =	sld [smem:$0x7FC];
	v3 =	vld [tilespmem:s18+$0x10]  }
0x131: {  	v7 =	vld [tilespmem:s19+$0x10]  }
0x132: {  	v4 =	vld [tilespmem:s28+$0x0];
	[tilespmem:s15+$0x690] =	vst v2  }
0x133: {  	[tilespmem:s20+$0xB90] =	vst v5;
	v1 =	vld [tilespmem:s29+$0x0]  }
0x134: {  	s1 =	spop (v2sf);
	v63 =	vld [tilespmem:s4+$0x0];
	[tilespmem:s20+$0xFFFFF390] =	vst v6  }
0x135: {  	v6 =	vld [tilespmem:s1+$0x0];
	[tilespmem:s20+$0xFFFFFB90] =	vst v3  }
0x136: {  	[tilespmem:s20+$0x390] =	vst v7;
	v5 =	vld [tilespmem:s5+$0x0]  }
0x137: {  	v3 =	vld [tilespmem:s14+$0x0];
	[tilespmem:s15+$0xFFFFF700] =	vst v4  }
0x138: {  	v4 =	vld [tilespmem:s12+$0x0];
	[tilespmem:s15+$0xFFFFFF00] =	vst v1  }
0x139: {  	v2 =	vld [tilespmem:s28+$0x10];
	[tilespmem:s15+$0x700] =	vst v63  }
0x13a: {  	p0 =	por p1, p1;
	s9 =	simm.s32 $0x4;
	(v2sf) =	vpush v0, $0x9;
	v1 =	vld [tilespmem:s29+$0x10];
	[tilespmem:s20+$0xC00] =	vst v6  }
.LBB2_3:
0x13b: {  	_ =	sdelay $0x4  }
0x13c: {  	[dreg:$0x18] =	wrdreg s8  }
0x13d: {  	[dreg:$0x17] =	wrdreg s10  }
0x13e: {  	[dreg:$0x16] =	wrdreg s7;
	[tilespmem:s20+$0xFFFFF400] =	vst v5;
	v5 =	vld [tilespmem:s1+$0x10]  }
0x13f: {  	[dreg:$0x12] =	wrdreg s3;
	s21 =	sadd.s32 $0x40, s21;
	[tilespmem:s20+$0xFFFFFC00] =	vst v4;
	v6 =	vld [tilespmem:s5+$0x10]  }
0x140: {  	s0 =	rddreg [dreg:$0x4];
	s7 =	sand.u32 $0x180, s21;
	s2 =	sadd.s32 $0x30, s21;
	v4 =	vld [tilespmem:s12+$0x10];
	[tilespmem:s20+$0x400] =	vst v3  }
0x141: {  	s10 =	sadd.s32 $0x10, s21;
	s0 =	sadd.s32 s7, s0;
	s8 =	sand.u32 $0x70, s2;
	v3 =	vld [tilespmem:s14+$0x10]  }
0x142: {  	(v2sf) =	vpush v0, $0xA;
	s2 =	sand.u32 $0x50, s10;
	s12 =	sadd.s32 $0x20, s21;
	s1 =	sadd.s32 s8, s0;
	[tilespmem:s15+$0xFFFFFF10] =	vst v1;
	v1 =	vld [tilespmem:s4+$0x10]  }
0x143: {  	s17 =	sand.u32 $0x40, s21;
	s2 =	sadd.s32 s2, s0;
	[tilespmem:s15+$0xFFFFF710] =	vst v2;
	s3 =	sand.u32 $0x60, s12;
	v2 =	vld [tilespmem:s1+$0x0]  }
0x144: {  	s3 =	sadd.s32 s3, s0;
	s0 =	sadd.s32 s17, s0;
	[tilespmem:s20+$0xFFFFF410] =	vst v6;
	v6 =	vld [tilespmem:s2+$0x0]  }
0x145: {  	[tilespmem:s20+$0xC10] =	vst v5;
	v7 =	vld [tilespmem:s0+$0x0];
	s14 =	spop (v2sf)  }
0x146: {  	[tilespmem:s20+$0x410] =	vst v3;
	v5 =	vld [tilespmem:s14+$0x0]  }
0x147: {  	s22 =	rddreg [dreg:$0xf];
	v8 =	vld [tilespmem:s3+$0x0]  }
0x148: {  	[tilespmem:s15+$0x710] =	vst v1;
	v9 =	vld [tilespmem:s22+$0x0];
	v1 =	vshll.u32 v2, $0x9  }
0x149: {  	s23 =	rddreg [dreg:$0x11];
	[tilespmem:s20+$0xFFFFFC10] =	vst v4;
	v4 =	vshra.s32 v1, $0x2  }
0x14a: {  	s24 =	rddreg [dreg:$0x10];
	v10 =	vld [tilespmem:s23+$0x0];
	(v2sf) =	vpush v4, $0x0;
	v3 =	vshll.u32 v7, $0x9  }
0x14b: {  	v2 =	vshll.u32 v6, $0x9;
	v6 =	vld [tilespmem:s24+$0x0];
	(v2sf) =	vpush v0, $0xB;
	v3 =	vshra.s32 v3, $0x2;
	[tilespmem:s20+$0xC80] =	vst v5  }
0x14c: {  	s25 =	rddreg [dreg:$0x6];
	(v2sf) =	vpush v3, $0x0;
	v5 =	vld [tilespmem:s14+$0x10]  }
0x14d: {  	v7 =	vld [tilespmem:s25+$0x0];
	[tilespmem:s20+$0xFFFFF480] =	vst v9  }
0x14e: {  	v1 =	vshra.s32 v2, $0x2;
	v2 =	vshll.u32 v8, $0x9;
	v9 =	vld [tilespmem:s22+$0x10]  }
0x14f: {  	v52 =	vld [tilespmem:s31+$0x0];
	[tilespmem:s20+$0xFFFFFC80] =	vst v10;
	v2 =	vshra.s32 v2, $0x2;
	(v2sf) =	vpush v1, $0x0  }
0x150: {  	v10 =	vld [tilespmem:s23+$0x10];
	(v2sf) =	vpush v2, $0x0;
	[tilespmem:s20+$0x480] =	vst v6  }
0x151: {  	s26 =	spop (v2sf);
	v6 =	vld [tilespmem:s24+$0x10];
	[tilespmem:s20+$0xC90] =	vst v5  }
0x152: {  	s28 =	rddreg [dreg:$0x5];
	(v2sf) =	vpush v3, $0x1;
	[tilespmem:s15+$0xFFFFF780] =	vst v7;
	v5 =	vld [tilespmem:s26+$0x0]  }
0x153: {  	v7 =	vld [tilespmem:s28+$0x0];
	(v2sf) =	vpush v1, $0x1;
	[tilespmem:s20+$0xFFFFF490] =	vst v9  }
0x154: {  	s2 =	rddreg [dreg:$0xe];
	[tilespmem:s15+$0xFFFFFF80] =	vst v52;
	(v2sf) =	vpush v2, $0x1;
	v53 =	vld [tilespmem:s25+$0x10]  }
0x155: {  	s4 =	rddreg [dreg:$0xd];
	[tilespmem:s20+$0xFFFFFC90] =	vst v10;
	v9 =	vld [tilespmem:s2+$0x0];
	(v2sf) =	vpush v3, $0x2  }
0x156: {  	s5 =	rddreg [dreg:$0xc];
	v10 =	vld [tilespmem:s4+$0x0];
	(v2sf) =	vpush v1, $0x2;
	[tilespmem:s20+$0x490] =	vst v6  }
0x157: {  	(v2sf) =	vpush v2, $0x2;
	v6 =	vld [tilespmem:s5+$0x0];
	[tilespmem:s20+$0xD00] =	vst v5  }
0x158: {  	(v2sf) =	vpush v3, $0x3;
	[tilespmem:s15+$0x780] =	vst v7;
	v5 =	vld [tilespmem:s26+$0x10]  }
0x159: {  	v7 =	vld [tilespmem:s31+$0x10];
	(v2sf) =	vpush v4, $0x1;
	[tilespmem:s15+$0xFFFFF790] =	vst v53;
	s14 =	spop (v2sf)  }
0x15a: {  	s29 =	smov.u32 s16;
	[tilespmem:s20+$0xFFFFF500] =	vst v9;
	v54 =	vld [tilespmem:s28+$0x10];
	(v2sf) =	vpush v0, $0xC;
	s16 =	spop (v2sf)  }
0x15b: {  	[tilespmem:s20+$0xFFFFFD00] =	vst v10;
	v9 =	vld [tilespmem:s2+$0x10];
	(v2sf) =	vpush v1, $0x3;
	s17 =	spop (v2sf)  }
0x15c: {  	(v2sf) =	vpush v2, $0x3;
	[tilespmem:s20+$0x500] =	vst v6;
	v6 =	vld [tilespmem:s17+$0x0]  }
0x15d: {  	s18 =	rddreg [dreg:$0x13];
	(v2sf) =	vpush v3, $0x4;
	v55 =	vld [tilespmem:s14+$0x0];
	[tilespmem:s20+$0xD10] =	vst v5  }
0x15e: {  	s19 =	smov.u32 s18;
	[tilespmem:s15+$0xFFFFFF90] =	vst v7;
	(v2sf) =	vpush v1, $0x4;
	s18 =	spop (v2sf);
	v5 =	vld [tilespmem:s16+$0x0]  }
0x15f: {  	[dreg:$0x15] =	wrdreg s19;
	[tilespmem:s15+$0x790] =	vst v54;
	s15 =	smov.u32 s20;
	(v2sf) =	vpush v2, $0x4;
	v7 =	vld [tilespmem:s18+$0x0];
	s19 =	spop (v2sf)  }
0x160: {  	[tilespmem:s15+$0xFFFFF510] =	vst v9;
	(v2sf) =	vpush v3, $0x5;
	v8 =	vld [tilespmem:s19+$0x0];
	s20 =	sadd.s32 $0x2000, s20  }
0x161: {  	v56 =	vld [tilespmem:s4+$0x10];
	s22 =	spop (v2sf);
	(v2sf) =	vpush v1, $0x5;
	[tilespmem:s20+$0xFFFFF000] =	vst v6  }
0x162: {  	s23 =	spop (v2sf);
	(v2sf) =	vpush v2, $0x5;
	[tilespmem:s20+$0x800] =	vst v55;
	v6 =	vld [tilespmem:s17+$0x10]  }
0x163: {  	(v2sf) =	vpush v3, $0x6;
	s24 =	spop (v2sf);
	v10 =	vld [tilespmem:s14+$0x10];
	[tilespmem:s15+$0xD80] =	vst v5  }
0x164: {  	s2 =	spop (v2sf);
	(v2sf) =	vpush v1, $0x6;
	[tilespmem:s20+$0xFFFFF800] =	vst v7;
	v5 =	vld [tilespmem:s16+$0x10]  }
0x165: {  	s7 =	spop (v2sf);
	(v2sf) =	vpush v4, $0x2;
	v7 =	vld [tilespmem:s18+$0x10];
	[tilespmem:s20+$0x0] =	vst v8  }
0x166: {  	[dreg:$0x19] =	wrdreg s6;
	s6 =	spop (v2sf);
	(v2sf) =	vpush v0, $0xD;
	[tilespmem:s15+$0xFFFFFD10] =	vst v56;
	v8 =	vld [tilespmem:s19+$0x10]  }
0x167: {  	s0 =	spop (v2sf);
	(v2sf) =	vpush v2, $0x6;
	v57 =	vld [tilespmem:s5+$0x10];
	[tilespmem:s20+$0xFFFFF010] =	vst v6  }
0x168: {  	(v2sf) =	vpush v3, $0x7;
	s26 =	spop (v2sf);
	[tilespmem:s20+$0x810] =	vst v10;
	v6 =	vld [tilespmem:s22+$0x0]  }
0x169: {  	(v2sf) =	vpush v1, $0x7;
	s28 =	spop (v2sf);
	v10 =	vld [tilespmem:s26+$0x0];
	[tilespmem:s15+$0xD90] =	vst v5  }
0x16a: {  	s10 =	smov.u32 s13;
	s13 =	smov.u32 s11;
	s3 =	spop (v2sf);
	(v2sf) =	vpush v2, $0x7;
	[tilespmem:s20+$0xFFFFF810] =	vst v7;
	v5 =	vld [tilespmem:s28+$0x0]  }
0x16b: {  	[dreg:$0x5] =	wrdreg s13;
	(v2sf) =	vpush v3, $0x8;
	s13 =	spop (v2sf);
	v7 =	vld [tilespmem:s23+$0x0];
	[tilespmem:s20+$0x10] =	vst v8  }
0x16c: {  	s16 =	rddreg [dreg:$0xa];
	s11 =	spop (v2sf);
	(v2sf) =	vpush v1, $0x8;
	v8 =	vld [tilespmem:s24+$0x0];
	[tilespmem:s15+$0x510] =	vst v57  }
0x16d: {  	[dreg:$0x6] =	wrdreg s29;
	v58 =	vld [tilespmem:s16+$0x0];
	s29 =	spop (v2sf);
	(v2sf) =	vpush v2, $0x8;
	[tilespmem:s20+$0xFFFFF080] =	vst v6  }
0x16e: {  	[dreg:$0x1a] =	wrdreg s30;
	(v2sf) =	vpush v3, $0x9;
	s30 =	spop (v2sf);
	[tilespmem:s20+$0x880] =	vst v10;
	v6 =	vld [tilespmem:s22+$0x10]  }
0x16f: {  	s25 =	spop (v2sf);
	(v2sf) =	vpush v1, $0x9;
	v10 =	vld [tilespmem:s26+$0x10];
	[tilespmem:s15+$0xE00] =	vst v5  }
0x170: {  	s26 =	spop (v2sf);
	(v2sf) =	vpush v2, $0x9;
	[tilespmem:s20+$0xFFFFF880] =	vst v7;
	v5 =	vld [tilespmem:s28+$0x10]  }
0x171: {  	v7 =	vld [tilespmem:s23+$0x10];
	[tilespmem:s20+$0x80] =	vst v8;
	s28 =	spop (v2sf);
	(v2sf) =	vpush v4, $0x3  }
0x172: {  	s8 =	rddreg [dreg:$0x8];
	[tilespmem:s15+$0xFFFFF580] =	vst v58;
	v8 =	vld [tilespmem:s24+$0x10];
	s22 =	spop (v2sf);
	(v2sf) =	vpush v0, $0xE  }
0x173: {  	v59 =	vld [tilespmem:s8+$0x0];
	[tilespmem:s20+$0xFFFFF090] =	vst v6;
	(v2sf) =	vpush v3, $0xA;
	s23 =	spop (v2sf)  }
0x174: {  	[dreg:$0x14] =	wrdreg s10;
	[tilespmem:s20+$0x890] =	vst v10;
	v6 =	vld [tilespmem:s2+$0x0];
	(v2sf) =	vpush v1, $0xA;
	s10 =	spop (v2sf)  }
0x175: {  	v10 =	vld [tilespmem:s10+$0x0];
	(v2sf) =	vpush v2, $0xA;
	s12 =	spop (v2sf);
	[tilespmem:s15+$0xE10] =	vst v5  }
0x176: {  	[tilespmem:s20+$0xFFFFF890] =	vst v7;
	(v2sf) =	vpush v3, $0xB;
	s24 =	spop (v2sf);
	v5 =	vld [tilespmem:s12+$0x0]  }
0x177: {  	v7 =	vld [tilespmem:s7+$0x0];
	[tilespmem:s20+$0x90] =	vst v8;
	s14 =	spop (v2sf);
	(v2sf) =	vpush v1, $0xB  }
0x178: {  	s31 =	rddreg [dreg:$0x9];
	v8 =	vld [tilespmem:s6+$0x0];
	s18 =	spop (v2sf);
	(v2sf) =	vpush v2, $0xB  }
0x179: {  	v60 =	vld [tilespmem:s31+$0x0];
	[tilespmem:s20+$0xFFFFF100] =	vst v6;
	(v2sf) =	vpush v3, $0xC;
	s19 =	spop (v2sf)  }
0x17a: {  	v6 =	vld [tilespmem:s2+$0x10];
	[tilespmem:s20+$0x900] =	vst v10;
	s17 =	spop (v2sf);
	(v2sf) =	vpush v1, $0xC  }
0x17b: {  	[dreg:$0x1c] =	wrdreg s17;
	v10 =	vld [tilespmem:s10+$0x10];
	s17 =	spop (v2sf);
	(v2sf) =	vpush v2, $0xC;
	[tilespmem:s15+$0xE80] =	vst v5  }
0x17c: {  	[tilespmem:s15+$0xFFFFFD80] =	vst v59;
	[dreg:$0x1b] =	wrdreg s14;
	(v2sf) =	vpush v3, $0xD;
	s14 =	spop (v2sf);
	v5 =	vld [tilespmem:s12+$0x10]  }
0x17d: {  	[tilespmem:s20+$0xFFFFF900] =	vst v7;
	v61 =	vld [tilespmem:s16+$0x10];
	s2 =	spop (v2sf);
	(v2sf) =	vpush v4, $0x4  }
0x17e: {  	v7 =	vld [tilespmem:s7+$0x10];
	[tilespmem:s20+$0x100] =	vst v8;
	s4 =	spop (v2sf);
	(v2sf) =	vpush v0, $0xF  }
0x17f: {  	[tilespmem:s20+$0xFFFFF110] =	vst v6;
	v0 =	vmov v4;
	v4 =	vld [tilespmem:s6+$0x10];
	s5 =	spop (v2sf)  }
0x180: {  	(v2sf) =	vpush v1, $0xD;
	[tilespmem:s20+$0x910] =	vst v10;
	s6 =	spop (v2sf)  }
0x181: {  	[dreg:$0xf] =	wrdreg s2;
	(v2sf) =	vpush v2, $0xD;
	v62 =	vld [tilespmem:s6+$0x0];
	s2 =	spop (v2sf);
	[tilespmem:s15+$0xE90] =	vst v5  }
0x182: {  	[tilespmem:s15+$0x580] =	vst v60;
	(v2sf) =	vpush v3, $0xE;
	s7 =	spop (v2sf);
	v5 =	vld [tilespmem:s2+$0x0]  }
0x183: {  	v6 =	vld [tilespmem:s0+$0x0];
	[tilespmem:s20+$0xFFFFF910] =	vst v7;
	(v2sf) =	vpush v1, $0xE;
	s10 =	spop (v2sf)  }
0x184: {  	v7 =	vld [tilespmem:s3+$0x0];
	(v2sf) =	vpush v2, $0xE;
	[tilespmem:s20+$0x110] =	vst v4;
	s12 =	spop (v2sf)  }
0x185: {  	[tilespmem:s15+$0xFFFFF590] =	vst v61;
	(v2sf) =	vpush v3, $0xF;
	v3 =	vld [tilespmem:s13+$0x0];
	s16 =	spop (v2sf)  }
0x186: {  	[dreg:$0x10] =	wrdreg s5;
	(v2sf) =	vpush v1, $0xF;
	v1 =	vld [tilespmem:s8+$0x10];
	[tilespmem:s20+$0x980] =	vst v62;
	s5 =	spop (v2sf)  }
0x187: {  	(v2sf) =	vpush v2, $0xF;
	v2 =	vld [tilespmem:s6+$0x10];
	s6 =	spop (v2sf);
	[tilespmem:s15+$0xF00] =	vst v5  }
0x188: {  	[dreg:$0xe] =	wrdreg s7;
	[tilespmem:s20+$0xFFFFF180] =	vst v6;
	s7 =	spop (v2sf);
	v4 =	vld [tilespmem:s2+$0x10]  }
0x189: {  	[tilespmem:s20+$0xFFFFF980] =	vst v7;
	v5 =	vld [tilespmem:s0+$0x10];
	s8 =	spop (v2sf)  }
0x18a: {  	v6 =	vld [tilespmem:s3+$0x10];
	[tilespmem:s20+$0x180] =	vst v3;
	s1 =	spop (v2sf);
	(v2sf) =	vpush v0, $0x5  }
0x18b: {  	[dreg:$0x8] =	wrdreg s5;
	v3 =	vld [tilespmem:s13+$0x10];
	[tilespmem:s15+$0xFFFFFD90] =	vst v1;
	s5 =	spop (v2sf)  }
0x18c: {  	[dreg:$0x11] =	wrdreg s4;
	v1 =	vld [tilespmem:s31+$0x10];
	[tilespmem:s20+$0x990] =	vst v2;
	s4 =	spop (v2sf)  }
0x18d: {  	[dreg:$0xa] =	wrdreg s16;
	v2 =	vld [tilespmem:s4+$0x0];
	s16 =	spop (v2sf);
	[tilespmem:s15+$0xF10] =	vst v4  }
0x18e: {  	[tilespmem:s20+$0xFFFFF190] =	vst v5;
	v4 =	vld [tilespmem:s16+$0x0]  }
0x18f: {  	[tilespmem:s20+$0xFFFFF990] =	vst v6;
	s3 =	spop (v2sf);
	v5 =	vld [tilespmem:s11+$0x0]  }
0x190: {  	[dreg:$0xc] =	wrdreg s12;
	v6 =	vld [tilespmem:s29+$0x0];
	s2 =	spop (v2sf);
	[tilespmem:s20+$0x190] =	vst v3  }
0x191: {  	s12 =	smov.u32 s6;
	s6 =	rddreg [dreg:$0x7];
	s0 =	spop (v2sf);
	v3 =	vld [tilespmem:s30+$0x0];
	[tilespmem:s15+$0x590] =	vst v1  }
0x192: {  	v1 =	vld [tilespmem:s6+$0x0];
	s31 =	spop (v2sf);
	[tilespmem:s20+$0xA00] =	vst v2  }
0x193: {  	s13 =	spop (v2sf);
	v2 =	vld [tilespmem:s4+$0x10];
	[tilespmem:s15+$0xF80] =	vst v4  }
0x194: {  	[dreg:$0x9] =	wrdreg s12;
	s12 =	spop (v2sf);
	[tilespmem:s20+$0xFFFFF200] =	vst v5;
	v4 =	vld [tilespmem:s16+$0x10]  }
0x195: {  	[tilespmem:s20+$0xFFFFFA00] =	vst v6;
	[dreg:$0x13] =	wrdreg s13;
	s13 =	spop (v2sf);
	v5 =	vld [tilespmem:s11+$0x10]  }
0x196: {  	[dreg:$0xd] =	wrdreg s10;
	v6 =	vld [tilespmem:s29+$0x10];
	s11 =	spop (v2sf);
	[tilespmem:s20+$0x200] =	vst v3;
	(v2sf) =	vpush v0, $0x6  }
0x197: {  	s29 =	rddreg [dreg:$0x19];
	[tilespmem:s15+$0xFFFFF600] =	vst v1;
	v3 =	vld [tilespmem:s30+$0x10]  }
0x198: {  	s10 =	rddreg [dreg:$0xb];
	v1 =	vld [tilespmem:s29+$0x0];
	[tilespmem:s20+$0xA10] =	vst v2  }
0x199: {  	v2 =	vld [tilespmem:s10+$0x0];
	s4 =	spop (v2sf);
	[tilespmem:s15+$0xF90] =	vst v4  }
0x19a: {  	[tilespmem:s20+$0xFFFFF210] =	vst v5;
	v4 =	vld [tilespmem:s4+$0x0]  }
0x19b: {  	[tilespmem:s20+$0xFFFFFA10] =	vst v6;
	v5 =	vld [tilespmem:s25+$0x0]  }
0x19c: {  	v6 =	vld [tilespmem:s26+$0x0];
	[tilespmem:s20+$0x210] =	vst v3  }
0x19d: {  	[tilespmem:s15+$0xFFFFFE00] =	vst v1;
	v3 =	vld [tilespmem:s28+$0x0]  }
0x19e: {  	v1 =	vld [tilespmem:s6+$0x10];
	[tilespmem:s15+$0x600] =	vst v2  }
0x19f: {  	v2 =	vld [tilespmem:s29+$0x10];
	[tilespmem:s20+$0xA80] =	vst v4  }
0x1a0: {  	[tilespmem:s20+$0xFFFFF280] =	vst v5;
	v4 =	vld [tilespmem:s4+$0x10]  }
0x1a1: {  	[tilespmem:s20+$0xFFFFFA80] =	vst v6;
	v5 =	vld [tilespmem:s25+$0x10]  }
0x1a2: {  	(v2sf) =	vpush v0, $0x7;
	v6 =	vld [tilespmem:s26+$0x10];
	[tilespmem:s20+$0x280] =	vst v3  }
0x1a3: {  	s26 =	rddreg [dreg:$0x18];
	[tilespmem:s15+$0xFFFFF610] =	vst v1;
	v3 =	vld [tilespmem:s28+$0x10]  }
0x1a4: {  	[tilespmem:s15+$0xFFFFFE10] =	vst v2;
	v2 =	vld [tilespmem:s26+$0x0]  }
0x1a5: {  	v1 =	vld [tilespmem:s10+$0x10];
	s25 =	spop (v2sf);
	[tilespmem:s20+$0xA90] =	vst v4  }
0x1a6: {  	[tilespmem:s20+$0xFFFFF290] =	vst v5;
	v4 =	vld [tilespmem:s25+$0x0]  }
0x1a7: {  	[tilespmem:s20+$0xFFFFFA90] =	vst v6;
	v5 =	vld [tilespmem:s22+$0x0]  }
0x1a8: {  	v6 =	vld [tilespmem:s23+$0x0];
	[tilespmem:s20+$0x290] =	vst v3  }
0x1a9: {  	s28 =	rddreg [dreg:$0x17];
	[tilespmem:s15+$0xFFFFF680] =	vst v2;
	v3 =	vld [tilespmem:s24+$0x0]  }
0x1aa: {  	s29 =	rddreg [dreg:$0x1a];
	[tilespmem:s15+$0x610] =	vst v1;
	v1 =	vld [tilespmem:s28+$0x0]  }
0x1ab: {  	v2 =	vld [tilespmem:s29+$0x0];
	[tilespmem:s20+$0xB00] =	vst v4  }
0x1ac: {  	[tilespmem:s20+$0xFFFFF300] =	vst v5;
	v4 =	vld [tilespmem:s25+$0x10]  }
0x1ad: {  	[tilespmem:s20+$0xFFFFFB00] =	vst v6;
	v5 =	vld [tilespmem:s22+$0x10]  }
0x1ae: {  	(v2sf) =	vpush v0, $0x8;
	v6 =	vld [tilespmem:s23+$0x10];
	[tilespmem:s20+$0x300] =	vst v3  }
0x1af: {  	[tilespmem:s15+$0xFFFFFE80] =	vst v1;
	v3 =	vld [tilespmem:s24+$0x10]  }
0x1b0: {  	v1 =	vld [tilespmem:s26+$0x10];
	[tilespmem:s15+$0x680] =	vst v2  }
0x1b1: {  	s25 =	spop (v2sf);
	v2 =	vld [tilespmem:s28+$0x10];
	[tilespmem:s20+$0xB10] =	vst v4  }
0x1b2: {  	s26 =	rddreg [dreg:$0x1b];
	[tilespmem:s20+$0xFFFFF310] =	vst v5;
	v4 =	vld [tilespmem:s25+$0x0]  }
0x1b3: {  	[tilespmem:s20+$0xFFFFFB10] =	vst v6;
	v5 =	vld [tilespmem:s26+$0x0]  }
0x1b4: {  	v6 =	vld [tilespmem:s18+$0x0];
	[tilespmem:s20+$0x310] =	vst v3  }
0x1b5: {  	s28 =	rddreg [dreg:$0x12];
	[tilespmem:s15+$0xFFFFF690] =	vst v1;
	v3 =	vld [tilespmem:s19+$0x0]  }
0x1b6: {  	[tilespmem:s15+$0xFFFFFE90] =	vst v2;
	v2 =	vld [tilespmem:s28+$0x0]  }
0x1b7: {  	v1 =	vld [tilespmem:s29+$0x10];
	[tilespmem:s20+$0xB80] =	vst v4  }
0x1b8: {  	[tilespmem:s20+$0xFFFFF380] =	vst v5;
	v4 =	vld [tilespmem:s25+$0x10]  }
0x1b9: {  	[tilespmem:s20+$0xFFFFFB80] =	vst v6;
	v5 =	vld [tilespmem:s26+$0x10]  }
0x1ba: {  	s9 =	sadd.s32 $0x4, s9;
	v6 =	vld [tilespmem:s18+$0x10];
	[tilespmem:s20+$0x380] =	vst v3  }
0x1bb: {  	p1 =	slt.u32 s9, $0x1C;
	s16 =	smov.u32 s12;
	s29 =	rddreg [dreg:$0x16];
	[tilespmem:s15+$0xFFFFF700] =	vst v2;
	v3 =	vld [tilespmem:s19+$0x10]  }
0x1bc: {  	s12 =	smov.u32 s17;
	s6 =	smov.u32 s7;
	s4 =	rddreg [dreg:$0x15];
	[tilespmem:s15+$0x690] =	vst v1;
	v1 =	vld [tilespmem:s29+$0x0]  }
0x1bd: {  	s17 =	smov.u32 s1;
	[dreg:$0x7] =	wrdreg s6;
	s1 =	spop (v2sf);
	v7 =	vld [tilespmem:s4+$0x0];
	[tilespmem:s20+$0xB90] =	vst v4  }
0x1be: {  	s6 =	smov.u32 s8;
	s8 =	smov.u32 s5;
	s5 =	rddreg [dreg:$0x1c];
	[tilespmem:s20+$0xFFFFF390] =	vst v5;
	v63 =	vld [tilespmem:s1+$0x0]  }
.Ltmp0:
0x1bf: {  	[tilespmem:s20+$0xFFFFFB90] =	vst v6;
	v5 =	vld [tilespmem:s5+$0x0];
	(pc) =	sbr.rel @p1 .LBB2_3-.Ltmp0, $4  }
0x1c0: {  	v4 =	vld [tilespmem:s12+$0x0];
	[tilespmem:s20+$0x390] =	vst v3  }
0x1c1: {  	v2 =	vld [tilespmem:s28+$0x10];
	[tilespmem:s15+$0xFFFFFF00] =	vst v1  }
0x1c2: {  	[dreg:$0xb] =	wrdreg s17;
	s30 =	smov.u32 s2;
	s7 =	smov.u32 s31;
	v3 =	vld [tilespmem:s14+$0x0];
	[tilespmem:s15+$0x700] =	vst v7  }
0x1c3: {  	s31 =	rddreg [dreg:$0x14];
	s10 =	smov.u32 s3;
	s3 =	smov.u32 s0;
	(v2sf) =	vpush v0, $0x9;
	v1 =	vld [tilespmem:s29+$0x10];
	[tilespmem:s20+$0xC00] =	vst v63  }
0x1c4: {  	_ =	sdelay $0x4  }
0x1c5: {  	v6 =	vld [tilespmem:s1+$0x10];
	[tilespmem:s20+$0xFFFFF400] =	vst v5  }
0x1c6: {  	v5 =	vld [tilespmem:s5+$0x10];
	[tilespmem:s20+$0xFFFFFC00] =	vst v4  }
0x1c7: {  	v4 =	vld [tilespmem:s12+$0x10]  }
0x1c8: {  	[tilespmem:s20+$0x400] =	vst v3  }
0x1c9: {  	v3 =	vld [tilespmem:s14+$0x10]  }
0x1ca: {  	[tilespmem:s20+$0xC10] =	vst v6  }
0x1cb: {  	(v2sf) =	vpush v0, $0xA;
	[tilespmem:s20+$0xFFFFF410] =	vst v5  }
0x1cc: {  	[tilespmem:s20+$0xFFFFFC10] =	vst v4  }
0x1cd: {  	s23 =	rddreg [dreg:$0xf]  }
0x1ce: {  	v46 =	vld [tilespmem:s23+$0x0];
	[tilespmem:s20+$0x410] =	vst v3;
	s0 =	spop (v2sf)  }
0x1cf: {  	s24 =	rddreg [dreg:$0x11];
	v45 =	vld [tilespmem:s0+$0x0]  }
0x1d0: {  	s2 =	rddreg [dreg:$0x10];
	v47 =	vld [tilespmem:s24+$0x0]  }
0x1d1: {  	v48 =	vld [tilespmem:s2+$0x0];
	_ =	sdelay $0x1  }
0x1d2: {  	[tilespmem:s20+$0xFFFFF480] =	vst v46  }
0x1d3: {  	v4 =	vld [tilespmem:s23+$0x10];
	[tilespmem:s20+$0xC80] =	vst v45  }
0x1d4: {  	[tilespmem:s20+$0xFFFFFC80] =	vst v47;
	v5 =	vld [tilespmem:s0+$0x10]  }
0x1d5: {  	[tilespmem:s20+$0x480] =	vst v48;
	v3 =	vld [tilespmem:s24+$0x10]  }
0x1d6: {  	v6 =	vld [tilespmem:s2+$0x10];
	_ =	sdelay $0x1  }
0x1d7: {  	(v2sf) =	vpush v0, $0xB;
	[tilespmem:s20+$0xFFFFF490] =	vst v4  }
0x1d8: {  	s25 =	spop (v2sf);
	[tilespmem:s20+$0xC90] =	vst v5  }
0x1d9: {  	v5 =	vld [tilespmem:s25+$0x0];
	s26 =	rddreg [dreg:$0xe];
	[tilespmem:s20+$0xFFFFFC90] =	vst v3  }
0x1da: {  	v4 =	vld [tilespmem:s26+$0x0];
	s28 =	rddreg [dreg:$0xd];
	[tilespmem:s20+$0x490] =	vst v6  }
0x1db: {  	v3 =	vld [tilespmem:s28+$0x0];
	s29 =	rddreg [dreg:$0xc]  }
0x1dc: {  	v6 =	vld [tilespmem:s29+$0x0];
	_ =	sdelay $0x1  }
0x1dd: {  	[tilespmem:s20+$0xD00] =	vst v5  }
0x1de: {  	v5 =	vld [tilespmem:s25+$0x10];
	[tilespmem:s20+$0xFFFFF500] =	vst v4  }
0x1df: {  	v4 =	vld [tilespmem:s26+$0x10];
	[tilespmem:s20+$0xFFFFFD00] =	vst v3  }
0x1e0: {  	v3 =	vld [tilespmem:s28+$0x10];
	[tilespmem:s20+$0x500] =	vst v6  }
0x1e1: {  	v6 =	vld [tilespmem:s29+$0x10];
	_ =	sdelay $0x1  }
0x1e2: {  	(v2sf) =	vpush v0, $0xC;
	[tilespmem:s20+$0xD10] =	vst v5  }
0x1e3: {  	[tilespmem:s20+$0xFFFFF510] =	vst v4  }
0x1e4: {  	s1 =	spop (v2sf);
	[tilespmem:s20+$0xFFFFFD10] =	vst v3  }
0x1e5: {  	v5 =	vld [tilespmem:s1+$0x0];
	s2 =	rddreg [dreg:$0xa];
	[tilespmem:s20+$0x510] =	vst v6  }
0x1e6: {  	v49 =	vld [tilespmem:s2+$0x0];
	s9 =	rddreg [dreg:$0x8]  }
0x1e7: {  	s12 =	rddreg [dreg:$0x9];
	v50 =	vld [tilespmem:s9+$0x0]  }
0x1e8: {  	v6 =	vld [tilespmem:s12+$0x0];
	_ =	sdelay $0x1  }
0x1e9: {  	[tilespmem:s20+$0xD80] =	vst v5  }
0x1ea: {  	v5 =	vld [tilespmem:s1+$0x10];
	[tilespmem:s20+$0xFFFFF580] =	vst v49  }
0x1eb: {  	v3 =	vld [tilespmem:s2+$0x10];
	[tilespmem:s20+$0xFFFFFD80] =	vst v50  }
0x1ec: {  	[tilespmem:s20+$0x580] =	vst v6;
	v4 =	vld [tilespmem:s9+$0x10]  }
0x1ed: {  	(v2sf) =	vpush v0, $0xD;
	v6 =	vld [tilespmem:s12+$0x10];
	_ =	sdelay $0x1  }
0x1ee: {  	[tilespmem:s20+$0xD90] =	vst v5  }
0x1ef: {  	s14 =	spop (v2sf);
	[tilespmem:s20+$0xFFFFF590] =	vst v3  }
0x1f0: {  	v5 =	vld [tilespmem:s14+$0x0];
	[tilespmem:s20+$0xFFFFFD90] =	vst v4  }
0x1f1: {  	s17 =	rddreg [dreg:$0x7];
	[tilespmem:s20+$0x590] =	vst v6;
	v4 =	vld [tilespmem:s6+$0x0]  }
0x1f2: {  	v3 =	vld [tilespmem:s17+$0x0];
	s18 =	rddreg [dreg:$0xb]  }
0x1f3: {  	v6 =	vld [tilespmem:s18+$0x0];
	_ =	sdelay $0x1  }
0x1f4: {  	[tilespmem:s20+$0xE00] =	vst v5  }
0x1f5: {  	v5 =	vld [tilespmem:s14+$0x10];
	[tilespmem:s20+$0xFFFFFE00] =	vst v4  }
0x1f6: {  	[tilespmem:s20+$0xFFFFF600] =	vst v3;
	v4 =	vld [tilespmem:s6+$0x10]  }
0x1f7: {  	(v2sf) =	vpush v0, $0xE;
	v3 =	vld [tilespmem:s17+$0x10];
	[tilespmem:s20+$0x600] =	vst v6  }
0x1f8: {  	v6 =	vld [tilespmem:s18+$0x10];
	_ =	sdelay $0x1  }
0x1f9: {  	s19 =	spop (v2sf);
	[tilespmem:s20+$0xE10] =	vst v5  }
0x1fa: {  	v5 =	vld [tilespmem:s19+$0x0];
	[tilespmem:s20+$0xFFFFFE10] =	vst v4  }
0x1fb: {  	[tilespmem:s20+$0xFFFFF610] =	vst v3;
	v4 =	vld [tilespmem:s10+$0x0]  }
0x1fc: {  	v3 =	vld [tilespmem:s8+$0x0];
	[tilespmem:s20+$0x610] =	vst v6  }
0x1fd: {  	v6 =	vld [tilespmem:s30+$0x0];
	_ =	sdelay $0x1  }
0x1fe: {  	[tilespmem:s20+$0xE80] =	vst v5  }
0x1ff: {  	v5 =	vld [tilespmem:s19+$0x10];
	[tilespmem:s20+$0xFFFFFE80] =	vst v4  }
0x200: {  	[tilespmem:s20+$0xFFFFF680] =	vst v3;
	v4 =	vld [tilespmem:s10+$0x10]  }
0x201: {  	v3 =	vld [tilespmem:s8+$0x10];
	[tilespmem:s20+$0x680] =	vst v6  }
0x202: {  	(v2sf) =	vpush v0, $0xF;
	[tilespmem:s15+$0xFFFFF710] =	vst v2;
	v51 =	vld [tilespmem:s30+$0x10]  }
0x203: {  	v52 =	vld [tilespmem:s4+$0x10];
	[tilespmem:s15+$0xFFFFFF10] =	vst v1  }
0x204: {  	s21 =	spop (v2sf);
	[tilespmem:s20+$0xE90] =	vst v5  }
0x205: {  	v5 =	vld [tilespmem:s21+$0x0];
	[tilespmem:s20+$0xFFFFFE90] =	vst v4  }
0x206: {  	v56 =	vld [tilespmem:s31+$0x0];
	[tilespmem:s20+$0xFFFFF690] =	vst v3  }
0x207: {  	v53 =	vld [tilespmem:s7+$0x0];
	[tilespmem:s20+$0x690] =	vst v51  }
0x208: {  	v3 =	vld [tilespmem:s3+$0x0];
	s22 =	rddreg [dreg:$0x13];
	[tilespmem:s15+$0x710] =	vst v52  }
0x209: {  	v54 =	vld [tilespmem:s22+$0x0];
	s23 =	rddreg [dreg:$0x6]  }
0x20a: {  	[tilespmem:s20+$0xF00] =	vst v5;
	v55 =	vld [tilespmem:s23+$0x0]  }
0x20b: {  	[tilespmem:s15+$0xFFFFFF80] =	vst v56  }
0x20c: {  	v5 =	vld [tilespmem:s21+$0x10];
	[tilespmem:s20+$0xFFFFFF00] =	vst v53  }
0x20d: {  	[tilespmem:s20+$0xFFFFF700] =	vst v3;
	v0 =	vld [tilespmem:s7+$0x10]  }
0x20e: {  	v3 =	vld [tilespmem:s3+$0x10];
	[tilespmem:s20+$0x700] =	vst v54  }
0x20f: {  	v62 =	vld [tilespmem:s31+$0x10];
	[tilespmem:s15+$0xFFFFF780] =	vst v55  }
0x210: {  	v1 =	vld [tilespmem:s22+$0x10];
	s24 =	rddreg [dreg:$0x5]  }
0x211: {  	s25 =	spop (v2sf);
	[tilespmem:s20+$0xF10] =	vst v5;
	v57 =	vld [tilespmem:s24+$0x0]  }
0x212: {  	v5 =	vld [tilespmem:s25+$0x0];
	[tilespmem:s20+$0xFFFFFF10] =	vst v0  }
0x213: {  	[tilespmem:s20+$0xFFFFF710] =	vst v3;
	v60 =	vld [tilespmem:s13+$0x0]  }
0x214: {  	[tilespmem:s15+$0xFFFFFF90] =	vst v62;
	v59 =	vld [tilespmem:s16+$0x0]  }
0x215: {  	v58 =	vld [tilespmem:s23+$0x10];
	[tilespmem:s20+$0x710] =	vst v1  }
0x216: {  	v61 =	vld [tilespmem:s11+$0x0];
	[tilespmem:s15+$0x780] =	vst v57  }
0x217: {  	[tilespmem:s20+$0xF80] =	vst v5;
	v63 =	vld [tilespmem:s24+$0x10]  }
0x218: {  	v5 =	vld [tilespmem:s25+$0x10];
	[tilespmem:s20+$0xFFFFFF80] =	vst v60  }
0x219: {  	[tilespmem:s20+$0xFFFFF780] =	vst v59;
	v1 =	vld [tilespmem:s13+$0x10]  }
0x21a: {  	[tilespmem:s15+$0xFFFFF790] =	vst v58;
	v0 =	vld [tilespmem:s16+$0x10]  }
0x21b: {  	[tilespmem:s20+$0x780] =	vst v61  }
0x21c: {  	[tilespmem:s15+$0x790] =	vst v63  }
0x21d: {  	v2 =	vld [tilespmem:s11+$0x10];
	[tilespmem:s20+$0xF90] =	vst v5  }
0x21e: {  	[tilespmem:s20+$0xFFFFFF90] =	vst v1  }
0x21f: {  	[tilespmem:s20+$0xFFFFF790] =	vst v0  }
0x220: {  	s26 =	sld [smem:$0x7F5];
	_ =	sdelay $0x1  }
0x221: {  	s29 =	simm.s32 $0x0;
	[tilespmem:s20+$0x790] =	vst v2  }
0x222: {  	s30 =	simm.s32 $0x1400;
	s28 =	rddreg [dreg:$0x1e];
	s0 =	sshll.u32 s26, $0xD  }
.Ltmp1:
0x223: {  	s31 =	simm.s32 $0x2;
	s0 =	sadd.s32 s0, s28;
	(pc) =	sbr.rel @p0 .LBB2_2-.Ltmp1, $4  }
0x224: {  	[hbm4b:s0+s29] =	stream.linear.scatter [tilespmem:s30], [sflag:$0x2], $0x10000, $0x38;
	[tilespmem:$0x11400] =	vst v63  }
0x225: {  	_ =	swait.ge [sflag:s31], $0x10000  }
0x226: {  	[sflag:s31] =	ssyncset.done $0x0  }
0x227: {  	p1 =	por $0x0, $0x0;
	s0 =	simm.s32 $0x1;
	[sflag:s31] =	ssyncadd.s32 $0xFFFF0000  }
0x228: {  	s1 =	sld [smem:$0x7FD];
	_ =	sdelay $0x2  }
0x229: {  	s0 =	rddreg [dreg:$0x1f];
	s1 =	sadd.s32 $0x1, s1  }
0x22a: {  	p0 =	sne.s32 s1, s0  }
.Ltmp2:
0x22b: {  	_ = 	snop;
	(pc) =	sbr.rel @p0 .LBB2_1-.Ltmp2, $1  }
0x22c: {  	_ =	sdelay $0x3  }
0x22d: {  	_ =	sfence.sel $0x180000  }
0x22e: {  	[bflag:$0x0] =	sbarrier.arrive $0xFFFF  }
0x22f: {  	_ =	strace $0x90000047  }
0x230: {  	s0 =	stileid.u32;
	[bflag:$0x2] =	sbarrier.arrive $0xFFFF  }
0x231: {  	p0 =	sne.s32 s0, $0x0;
	s0 =	rddreg [dreg:$0x3]  }
0x232: {  	s0 =	sadd.s32 @!p0 $0x100000, s0  }
0x233: {  	[sflag:s0] =	ssyncadd.tile.s32 @!p0 $0x1;
	_ =	shalt  }
.Lfunc_end2:
_tile_overlayer_lowered:
.L_overlay_start_2:
0x234: {  	(tag) =	ssettag $0x2  }
0x235: {  	s0 =	rddreg [dreg:$0x0];
	s2 =	stileid.u32  }
0x236: {  	s1 =	rddreg [dreg:$0x1];
	p0 =	sne.s32 s2, $0x0  }
0x237: {  	s3 =	rddreg [dreg:$0x2];
	[bflag:$0x3] =	sbarrier.arrive $0xFFFF;
	s2 =	simm.s32 @!p0 $0x1C02  }
0x238: {  	[timem:s3], [sflag:s2] =	dma.local @!p0 [hbm:s0], s1  }
0x239: {  	s0 =	simm.s32 @!p0 $0x2  }
0x23a: {  	_ =	swait.ge @!p0 [sflag:s0], s1  }
0x23b: {  	s1 =	ssub.s32 @!p0 $0x0, s1;
	[sflag:s0] =	ssyncset.done @!p0 $0x0  }
0x23c: {  	[sflag:s0] =	ssyncadd.s32 @!p0 s1  }
0x23d: {  	[bflag:$0x3] =	sbarrier.arrive $0xFFFF  }
0x23e: {  	_ =	shalt  }

</sc_bundles>
